<compile_context>
chip_gen: v7x
topology: tpu7x:2x2x1
jax: 0.10.2.dev20260603
libtpu: 0.0.44.dev20260713+nightly
codegen_flags: <defaults>
</compile_context>

<pallas_src>
import jax
import jax.numpy as jnp
from jax import lax
from jax.experimental import pallas as pl
from jax.experimental.pallas import tpu as pltpu
from jax.experimental.pallas import tpu_sc as plsc

EMB = 64
SCALE = 8.0
NC = 2
NS = 16
NW = NC * NS
CHUNK = 128
LANES = 16
NBUF = 4


def _body(tokens_hbm, table_hbm, out_hbm, idx_v, gbuf, tbuf, *sems):
    sem_g = sems[:NBUF]
    sem_w = sems[NBUF:]
    wid = lax.axis_index("s") * NC + lax.axis_index("c")
    nch = tokens_hbm.shape[0]
    pltpu.sync_copy(tokens_hbm.at[:, pl.ds(wid * CHUNK, CHUNK)], idx_v)

    def gather(j, b):
        pltpu.async_copy(table_hbm.at[idx_v.at[j]], gbuf.at[b], sem_g[b])

    def wait_gather(b):
        pltpu.make_async_copy(
            table_hbm.at[idx_v.at[0]], gbuf.at[b], sem_g[b]).wait()

    def writeback(j, b):
        pltpu.async_copy(
            tbuf.at[b, slice(None), slice(None), pl.ds(0, CHUNK)],
            out_hbm.at[j, slice(None), wid], sem_w[b])

    def wait_writeback(b):
        pltpu.make_async_copy(
            tbuf.at[b, slice(None), slice(None), pl.ds(0, CHUNK)],
            out_hbm.at[0, slice(None), wid], sem_w[b]).wait()

    for b in range(NBUF):
        gather(b, b)

    lanes = lax.iota(jnp.int32, LANES)
    eb_c = [(jnp.full((LANES,), c * LANES, jnp.int32) + lanes) >> 3
            for c in range(EMB // LANES)]
    ei_c = [(jnp.full((LANES,), c * LANES, jnp.int32) + lanes) & 7
            for c in range(EMB // LANES)]

    def group(g, carry):
        for b in range(NBUF):
            j = g * NBUF + b
            wait_gather(b)

            @pl.when(j >= NBUF)
            def _():
                wait_writeback(b)

            @plsc.parallel_loop(0, CHUNK, unroll=4)
            def _pass(t):
                t16 = jnp.full((LANES,), 0, jnp.int32) + t
                for c in range(EMB // LANES):
                    v = gbuf[b, t, pl.ds(c * LANES, LANES)] * SCALE
                    plsc.store_scatter(tbuf.at[b], [eb_c[c], ei_c[c], t16], v)

            writeback(j, b)

            @pl.when(j + NBUF < nch)
            def _():
                gather(j + NBUF, b)
        return carry

    lax.fori_loop(0, nch // NBUF, group, None)

    for b in range(NBUF):
        wait_writeback(b)


def kernel(tokens, embedding_weight):
    B, L = tokens.shape
    nbb = B // CHUNK
    assert nbb == NW and L % NBUF == 0, (B, L)
    tokens_t = tokens.T.astype(jnp.int32)
    mesh = plsc.VectorSubcoreMesh(core_axis_name="c", subcore_axis_name="s")
    out = pl.kernel(
        _body,
        out_type=jax.ShapeDtypeStruct((L, EMB // 8, nbb, 8, CHUNK),
                                      jnp.float32),
        mesh=mesh,
        compiler_params=pltpu.CompilerParams(
            use_tc_tiling_on_sc=False, needs_layout_passes=False),
        scratch_types=[
            pltpu.VMEM((L, CHUNK), jnp.int32),
            pltpu.VMEM((NBUF, CHUNK, EMB), jnp.float32),
            pltpu.VMEM((NBUF, EMB // 8, 8, CHUNK + 1), jnp.float32),
        ] + [pltpu.SemaphoreType.DMA] * (2 * NBUF),
    )(tokens_t, embedding_weight)
    return out.transpose(2, 4, 0, 1, 3).reshape(B, L, EMB)

# --- scband reference (transcript-rebuilt; emitter-appended) ---
"""Pipeline reference for scband-token-embedding-83236466197009 (READ-ONLY COPY).

The authoritative reference and input builder live on the scoring server;
editing this copy changes nothing except your own understanding.
"""

import jax, jax.numpy as jnp
import numpy as np
import math

VOCAB = 1000000
EMB = 64
B = 4096
L = 200

def setup_inputs(seed: int = 0) -> dict:
    key = jax.random.key(seed)
    k_tok, k_emb = jax.random.split(key)
    tokens = jax.random.randint(k_tok, (B, L), 0, VOCAB, dtype=jnp.int64 if jax.config.jax_enable_x64 else jnp.int32)
    # nn.Embedding default init: N(0, 1)
    embedding_weight = jax.random.normal(k_emb, (VOCAB, EMB), dtype=jnp.float32)
    return {"tokens": tokens, "embedding_weight": embedding_weight}

def reference(tokens, embedding_weight):
    emb = jnp.take(embedding_weight, tokens.astype(jnp.int32), axis=0)
    return emb * math.sqrt(EMB)

if __name__ == "__main__":
    import jax
    _d = setup_inputs()
    print(jax.jit(kernel)(*tuple(_d.values())))

</pallas_src>

<mosaic_0001>
#map = affine_map<(d0, d1) -> (0, 0)>
#map1 = affine_map<(d0, d1) -> (0, 0, 0, 0, 0)>
module attributes {stable_mosaic.version = 14 : i64} {
  func.func @_body(%arg0: i32, %arg1: i32, %arg2: memref<200x4096xi32, #tpu.memory_space<hbm>>, %arg3: memref<1000000x64xf32, #tpu.memory_space<hbm>>, %arg4: memref<200x8x32x8x128xf32, #tpu.memory_space<hbm>>, %arg5: memref<200x128xi32, #tpu.memory_space<vmem>>, %arg6: memref<4x128x64xf32, #tpu.memory_space<vmem>>, %arg7: memref<4x8x8x129xf32, #tpu.memory_space<vmem>>, %arg8: memref<!tpu.dma_semaphore, #tpu.memory_space<semaphore_mem>>, %arg9: memref<!tpu.dma_semaphore, #tpu.memory_space<semaphore_mem>>, %arg10: memref<!tpu.dma_semaphore, #tpu.memory_space<semaphore_mem>>, %arg11: memref<!tpu.dma_semaphore, #tpu.memory_space<semaphore_mem>>, %arg12: memref<!tpu.dma_semaphore, #tpu.memory_space<semaphore_mem>>, %arg13: memref<!tpu.dma_semaphore, #tpu.memory_space<semaphore_mem>>, %arg14: memref<!tpu.dma_semaphore, #tpu.memory_space<semaphore_mem>>, %arg15: memref<!tpu.dma_semaphore, #tpu.memory_space<semaphore_mem>>) attributes {dimension_semantics = [#tpu.dimension_semantics<core_parallel>, #tpu.dimension_semantics<subcore_parallel>], iteration_bounds = array<i64: 2, 16>, scalar_prefetch = 0 : i64, scratch_operands = 11 : i64, tpu.core_type = #tpu.core_type<sc_vector_subcore>, window_params = [{transform_indices = #map}, {transform_indices = #map}, {transform_indices = #map1}]} {
    %mul3A = arith.constant 2 : i32
    %mul3A_0 = arith.muli %arg1, %mul3A : i32
    %add3A = arith.addi %mul3A_0, %arg0 : i32
    %mul3A_1 = arith.constant 128 : i32
    %mul3A_2 = arith.muli %add3A, %mul3A_1 : i32
    "tpu.region"() ({
      %run_scoped3A = tpu.sem_alloc : memref<!tpu.dma_semaphore, #tpu.memory_space<semaphore_mem>>
      %dma_start3A_186 = arith.constant 0 : i32
      %dma_start3A_187 = tpu.memref_slice %arg2[%dma_start3A_186, %mul3A_2] : memref<200x4096xi32, #tpu.memory_space<hbm>> -> memref<200x128xi32, #tpu.memory_space<hbm>>
      %dma_start3A_188 = arith.constant 0 : i32
      %dma_start3A_189 = tpu.memref_slice %arg2[%dma_start3A_188, %mul3A_2] : memref<200x4096xi32, #tpu.memory_space<hbm>> -> memref<200x128xi32, #tpu.memory_space<hbm>>
      tpu.enqueue_dma source(%dma_start3A_189 : memref<200x128xi32, #tpu.memory_space<hbm>>) target(%arg5 : memref<200x128xi32, #tpu.memory_space<vmem>>) target_semaphore(%run_scoped3A : memref<!tpu.dma_semaphore, #tpu.memory_space<semaphore_mem>>)
      %dma_wait3A_190 = arith.constant 0 : i32
      %dma_wait3A_191 = tpu.memref_slice %arg2[%dma_wait3A_190, %mul3A_2] : memref<200x4096xi32, #tpu.memory_space<hbm>> -> memref<200x128xi32, #tpu.memory_space<hbm>>
      %dma_wait3A_192 = arith.constant 0 : i32
      %dma_wait3A_193 = tpu.memref_slice %arg2[%dma_wait3A_192, %mul3A_2] : memref<200x4096xi32, #tpu.memory_space<hbm>> -> memref<200x128xi32, #tpu.memory_space<hbm>>
      tpu.wait_dma2 semaphore(%run_scoped3A : memref<!tpu.dma_semaphore, #tpu.memory_space<semaphore_mem>>) src(%dma_wait3A_193 : memref<200x128xi32, #tpu.memory_space<hbm>>) dst(%arg5 : memref<200x128xi32, #tpu.memory_space<vmem>>)
      tpu.yield
    }) : () -> ()
    %dma_start3A = arith.constant 0 : i32
    %dma_start3A_3 = arith.constant 0 : i32
    %dma_start3A_4 = arith.constant 0 : i32
    %dma_start3A_5 = arith.constant 0 : i32
    %dma_start3A_6 = tpu.memref_slice %arg6[%dma_start3A_3, %dma_start3A_4, %dma_start3A_5] : memref<4x128x64xf32, #tpu.memory_space<vmem>> -> memref<1x128x64xf32, #tpu.memory_space<vmem>>
    %dma_start3A_7 = tpu.memref_squeeze %dma_start3A_6 : memref<1x128x64xf32, #tpu.memory_space<vmem>> -> memref<128x64xf32, #tpu.memory_space<vmem>>
    %dma_start3A_8 = arith.constant 0 : i32
    %dma_start3A_9 = tpu.memref_slice %arg5[%dma_start3A, %dma_start3A_8] : memref<200x128xi32, #tpu.memory_space<vmem>> -> memref<1x128xi32, #tpu.memory_space<vmem>>
    %dma_start3A_10 = tpu.memref_squeeze %dma_start3A_9 : memref<1x128xi32, #tpu.memory_space<vmem>> -> memref<128xi32, #tpu.memory_space<vmem>>
    %dma_start3A_11 = arith.constant 0 : i32
    %dma_start3A_12 = arith.constant 0 : i32
    %dma_start3A_13 = tpu.memref_slice %arg3[%dma_start3A_11, %dma_start3A_12] : memref<1000000x64xf32, #tpu.memory_space<hbm>> -> memref<1000000x64xf32, #tpu.memory_space<hbm>>
    tpu.enqueue_indirect_dma source(%dma_start3A_13 : memref<1000000x64xf32, #tpu.memory_space<hbm>>) target(%dma_start3A_7 : memref<128x64xf32, #tpu.memory_space<vmem>>) offsets(%dma_start3A_10 : memref<128xi32, #tpu.memory_space<vmem>>) semaphore(%arg8 : memref<!tpu.dma_semaphore, #tpu.memory_space<semaphore_mem>>)
    %dma_start3A_14 = arith.constant 1 : i32
    %dma_start3A_15 = arith.constant 1 : i32
    %dma_start3A_16 = arith.constant 0 : i32
    %dma_start3A_17 = arith.constant 0 : i32
    %dma_start3A_18 = tpu.memref_slice %arg6[%dma_start3A_15, %dma_start3A_16, %dma_start3A_17] : memref<4x128x64xf32, #tpu.memory_space<vmem>> -> memref<1x128x64xf32, #tpu.memory_space<vmem>>
    %dma_start3A_19 = tpu.memref_squeeze %dma_start3A_18 : memref<1x128x64xf32, #tpu.memory_space<vmem>> -> memref<128x64xf32, #tpu.memory_space<vmem>>
    %dma_start3A_20 = arith.constant 0 : i32
    %dma_start3A_21 = tpu.memref_slice %arg5[%dma_start3A_14, %dma_start3A_20] : memref<200x128xi32, #tpu.memory_space<vmem>> -> memref<1x128xi32, #tpu.memory_space<vmem>>
    %dma_start3A_22 = tpu.memref_squeeze %dma_start3A_21 : memref<1x128xi32, #tpu.memory_space<vmem>> -> memref<128xi32, #tpu.memory_space<vmem>>
    %dma_start3A_23 = arith.constant 0 : i32
    %dma_start3A_24 = arith.constant 0 : i32
    %dma_start3A_25 = tpu.memref_slice %arg3[%dma_start3A_23, %dma_start3A_24] : memref<1000000x64xf32, #tpu.memory_space<hbm>> -> memref<1000000x64xf32, #tpu.memory_space<hbm>>
    tpu.enqueue_indirect_dma source(%dma_start3A_25 : memref<1000000x64xf32, #tpu.memory_space<hbm>>) target(%dma_start3A_19 : memref<128x64xf32, #tpu.memory_space<vmem>>) offsets(%dma_start3A_22 : memref<128xi32, #tpu.memory_space<vmem>>) semaphore(%arg9 : memref<!tpu.dma_semaphore, #tpu.memory_space<semaphore_mem>>)
    %dma_start3A_26 = arith.constant 2 : i32
    %dma_start3A_27 = arith.constant 2 : i32
    %dma_start3A_28 = arith.constant 0 : i32
    %dma_start3A_29 = arith.constant 0 : i32
    %dma_start3A_30 = tpu.memref_slice %arg6[%dma_start3A_27, %dma_start3A_28, %dma_start3A_29] : memref<4x128x64xf32, #tpu.memory_space<vmem>> -> memref<1x128x64xf32, #tpu.memory_space<vmem>>
    %dma_start3A_31 = tpu.memref_squeeze %dma_start3A_30 : memref<1x128x64xf32, #tpu.memory_space<vmem>> -> memref<128x64xf32, #tpu.memory_space<vmem>>
    %dma_start3A_32 = arith.constant 0 : i32
    %dma_start3A_33 = tpu.memref_slice %arg5[%dma_start3A_26, %dma_start3A_32] : memref<200x128xi32, #tpu.memory_space<vmem>> -> memref<1x128xi32, #tpu.memory_space<vmem>>
    %dma_start3A_34 = tpu.memref_squeeze %dma_start3A_33 : memref<1x128xi32, #tpu.memory_space<vmem>> -> memref<128xi32, #tpu.memory_space<vmem>>
    %dma_start3A_35 = arith.constant 0 : i32
    %dma_start3A_36 = arith.constant 0 : i32
    %dma_start3A_37 = tpu.memref_slice %arg3[%dma_start3A_35, %dma_start3A_36] : memref<1000000x64xf32, #tpu.memory_space<hbm>> -> memref<1000000x64xf32, #tpu.memory_space<hbm>>
    tpu.enqueue_indirect_dma source(%dma_start3A_37 : memref<1000000x64xf32, #tpu.memory_space<hbm>>) target(%dma_start3A_31 : memref<128x64xf32, #tpu.memory_space<vmem>>) offsets(%dma_start3A_34 : memref<128xi32, #tpu.memory_space<vmem>>) semaphore(%arg10 : memref<!tpu.dma_semaphore, #tpu.memory_space<semaphore_mem>>)
    %dma_start3A_38 = arith.constant 3 : i32
    %dma_start3A_39 = arith.constant 3 : i32
    %dma_start3A_40 = arith.constant 0 : i32
    %dma_start3A_41 = arith.constant 0 : i32
    %dma_start3A_42 = tpu.memref_slice %arg6[%dma_start3A_39, %dma_start3A_40, %dma_start3A_41] : memref<4x128x64xf32, #tpu.memory_space<vmem>> -> memref<1x128x64xf32, #tpu.memory_space<vmem>>
    %dma_start3A_43 = tpu.memref_squeeze %dma_start3A_42 : memref<1x128x64xf32, #tpu.memory_space<vmem>> -> memref<128x64xf32, #tpu.memory_space<vmem>>
    %dma_start3A_44 = arith.constant 0 : i32
    %dma_start3A_45 = tpu.memref_slice %arg5[%dma_start3A_38, %dma_start3A_44] : memref<200x128xi32, #tpu.memory_space<vmem>> -> memref<1x128xi32, #tpu.memory_space<vmem>>
    %dma_start3A_46 = tpu.memref_squeeze %dma_start3A_45 : memref<1x128xi32, #tpu.memory_space<vmem>> -> memref<128xi32, #tpu.memory_space<vmem>>
    %dma_start3A_47 = arith.constant 0 : i32
    %dma_start3A_48 = arith.constant 0 : i32
    %dma_start3A_49 = tpu.memref_slice %arg3[%dma_start3A_47, %dma_start3A_48] : memref<1000000x64xf32, #tpu.memory_space<hbm>> -> memref<1000000x64xf32, #tpu.memory_space<hbm>>
    tpu.enqueue_indirect_dma source(%dma_start3A_49 : memref<1000000x64xf32, #tpu.memory_space<hbm>>) target(%dma_start3A_43 : memref<128x64xf32, #tpu.memory_space<vmem>>) offsets(%dma_start3A_46 : memref<128xi32, #tpu.memory_space<vmem>>) semaphore(%arg11 : memref<!tpu.dma_semaphore, #tpu.memory_space<semaphore_mem>>)
    %iota3A = tpu.iota {dimensions = array<i32: 0>} : vector<16xi32>
    %broadcast_in_dim3A = arith.constant 0 : i32
    %broadcast_in_dim3A_50 = vector.broadcast %broadcast_in_dim3A : i32 to vector<16xi32>
    %add3A_51 = arith.addi %broadcast_in_dim3A_50, %iota3A : vector<16xi32>
    %shift_right_arithmetic3A = arith.constant 3 : i32
    %shift_right_arithmetic3A_52 = vector.broadcast %shift_right_arithmetic3A : i32 to vector<16xi32>
    %shift_right_arithmetic3A_53 = arith.shrsi %add3A_51, %shift_right_arithmetic3A_52 : vector<16xi32>
    %broadcast_in_dim3A_54 = arith.constant 16 : i32
    %broadcast_in_dim3A_55 = vector.broadcast %broadcast_in_dim3A_54 : i32 to vector<16xi32>
    %add3A_56 = arith.addi %broadcast_in_dim3A_55, %iota3A : vector<16xi32>
    %shift_right_arithmetic3A_57 = arith.constant 3 : i32
    %shift_right_arithmetic3A_58 = vector.broadcast %shift_right_arithmetic3A_57 : i32 to vector<16xi32>
    %shift_right_arithmetic3A_59 = arith.shrsi %add3A_56, %shift_right_arithmetic3A_58 : vector<16xi32>
    %broadcast_in_dim3A_60 = arith.constant 32 : i32
    %broadcast_in_dim3A_61 = vector.broadcast %broadcast_in_dim3A_60 : i32 to vector<16xi32>
    %add3A_62 = arith.addi %broadcast_in_dim3A_61, %iota3A : vector<16xi32>
    %shift_right_arithmetic3A_63 = arith.constant 3 : i32
    %shift_right_arithmetic3A_64 = vector.broadcast %shift_right_arithmetic3A_63 : i32 to vector<16xi32>
    %shift_right_arithmetic3A_65 = arith.shrsi %add3A_62, %shift_right_arithmetic3A_64 : vector<16xi32>
    %broadcast_in_dim3A_66 = arith.constant 48 : i32
    %broadcast_in_dim3A_67 = vector.broadcast %broadcast_in_dim3A_66 : i32 to vector<16xi32>
    %add3A_68 = arith.addi %broadcast_in_dim3A_67, %iota3A : vector<16xi32>
    %shift_right_arithmetic3A_69 = arith.constant 3 : i32
    %shift_right_arithmetic3A_70 = vector.broadcast %shift_right_arithmetic3A_69 : i32 to vector<16xi32>
    %shift_right_arithmetic3A_71 = arith.shrsi %add3A_68, %shift_right_arithmetic3A_70 : vector<16xi32>
    %broadcast_in_dim3A_72 = arith.constant 0 : i32
    %broadcast_in_dim3A_73 = vector.broadcast %broadcast_in_dim3A_72 : i32 to vector<16xi32>
    %add3A_74 = arith.addi %broadcast_in_dim3A_73, %iota3A : vector<16xi32>
    %and3A = arith.constant 7 : i32
    %and3A_75 = vector.broadcast %and3A : i32 to vector<16xi32>
    %and3A_76 = arith.andi %add3A_74, %and3A_75 : vector<16xi32>
    %broadcast_in_dim3A_77 = arith.constant 16 : i32
    %broadcast_in_dim3A_78 = vector.broadcast %broadcast_in_dim3A_77 : i32 to vector<16xi32>
    %add3A_79 = arith.addi %broadcast_in_dim3A_78, %iota3A : vector<16xi32>
    %and3A_80 = arith.constant 7 : i32
    %and3A_81 = vector.broadcast %and3A_80 : i32 to vector<16xi32>
    %and3A_82 = arith.andi %add3A_79, %and3A_81 : vector<16xi32>
    %broadcast_in_dim3A_83 = arith.constant 32 : i32
    %broadcast_in_dim3A_84 = vector.broadcast %broadcast_in_dim3A_83 : i32 to vector<16xi32>
    %add3A_85 = arith.addi %broadcast_in_dim3A_84, %iota3A : vector<16xi32>
    %and3A_86 = arith.constant 7 : i32
    %and3A_87 = vector.broadcast %and3A_86 : i32 to vector<16xi32>
    %and3A_88 = arith.andi %add3A_85, %and3A_87 : vector<16xi32>
    %broadcast_in_dim3A_89 = arith.constant 48 : i32
    %broadcast_in_dim3A_90 = vector.broadcast %broadcast_in_dim3A_89 : i32 to vector<16xi32>
    %add3A_91 = arith.addi %broadcast_in_dim3A_90, %iota3A : vector<16xi32>
    %and3A_92 = arith.constant 7 : i32
    %and3A_93 = vector.broadcast %and3A_92 : i32 to vector<16xi32>
    %and3A_94 = arith.andi %add3A_91, %and3A_93 : vector<16xi32>
    %scan3A = arith.constant 0 : i32
    %scan3A_95 = arith.constant 50 : i32
    %scan3A_96 = arith.addi %scan3A, %scan3A_95 : i32
    %scan3A_97 = arith.constant 1 : i32
    scf.for %scan3A_186 = %scan3A to %scan3A_96 step %scan3A_97  : i32 {
      %mul3A_187 = arith.constant 4 : i32
      %mul3A_188 = arith.muli %scan3A_186, %mul3A_187 : i32
      %add3A_189 = arith.constant 0 : i32
      %add3A_190 = arith.addi %mul3A_188, %add3A_189 : i32
      %dma_wait3A_191 = arith.constant 0 : i32
      %dma_wait3A_192 = arith.constant 0 : i32
      %dma_wait3A_193 = arith.constant 0 : i32
      %dma_wait3A_194 = arith.constant 0 : i32
      %dma_wait3A_195 = tpu.memref_slice %arg6[%dma_wait3A_192, %dma_wait3A_193, %dma_wait3A_194] : memref<4x128x64xf32, #tpu.memory_space<vmem>> -> memref<1x128x64xf32, #tpu.memory_space<vmem>>
      %dma_wait3A_196 = tpu.memref_squeeze %dma_wait3A_195 : memref<1x128x64xf32, #tpu.memory_space<vmem>> -> memref<128x64xf32, #tpu.memory_space<vmem>>
      %dma_wait3A_197 = arith.constant 0 : i32
      %dma_wait3A_198 = tpu.memref_slice %arg5[%dma_wait3A_191, %dma_wait3A_197] : memref<200x128xi32, #tpu.memory_space<vmem>> -> memref<1x128xi32, #tpu.memory_space<vmem>>
      %dma_wait3A_199 = tpu.memref_squeeze %dma_wait3A_198 : memref<1x128xi32, #tpu.memory_space<vmem>> -> memref<128xi32, #tpu.memory_space<vmem>>
      %dma_wait3A_200 = arith.constant 0 : i32
      %dma_wait3A_201 = arith.constant 0 : i32
      %dma_wait3A_202 = tpu.memref_slice %arg3[%dma_wait3A_200, %dma_wait3A_201] : memref<1000000x64xf32, #tpu.memory_space<hbm>> -> memref<1000000x64xf32, #tpu.memory_space<hbm>>
      tpu.wait_indirect_dma semaphore(%arg8 : memref<!tpu.dma_semaphore, #tpu.memory_space<semaphore_mem>>) src(%dma_wait3A_202 : memref<1000000x64xf32, #tpu.memory_space<hbm>>) dst(%dma_wait3A_196 : memref<128x64xf32, #tpu.memory_space<vmem>>)
      %ge3A = arith.constant 4 : i32
      %ge3A_203 = arith.cmpi sge, %add3A_190, %ge3A : i32
      %convert_element_type3A = arith.extui %ge3A_203 : i1 to i32
      %cond3A = arith.constant 0 : i32
      %cond3A_204 = arith.cmpi ne, %convert_element_type3A, %cond3A : i32
      scf.if %cond3A_204 {
        %dma_wait3A_390 = arith.constant 0 : i32
        %dma_wait3A_391 = arith.constant 0 : i32
        %dma_wait3A_392 = arith.constant 0 : i32
        %dma_wait3A_393 = arith.constant 0 : i32
        %dma_wait3A_394 = arith.constant 0 : i32
        %dma_wait3A_395 = tpu.memref_slice %arg7[%dma_wait3A_390, %dma_wait3A_392, %dma_wait3A_393, %dma_wait3A_394] : memref<4x8x8x129xf32, #tpu.memory_space<vmem>> -> memref<1x8x8x128xf32, #tpu.memory_space<vmem>>
        %dma_wait3A_396 = tpu.memref_squeeze %dma_wait3A_395 : memref<1x8x8x128xf32, #tpu.memory_space<vmem>> -> memref<8x8x128xf32, #tpu.memory_space<vmem>>
        %dma_wait3A_397 = arith.constant 0 : i32
        %dma_wait3A_398 = arith.constant 0 : i32
        %dma_wait3A_399 = arith.constant 0 : i32
        %dma_wait3A_400 = tpu.memref_slice %arg4[%dma_wait3A_391, %dma_wait3A_397, %add3A, %dma_wait3A_398, %dma_wait3A_399] : memref<200x8x32x8x128xf32, #tpu.memory_space<hbm>> -> memref<1x8x1x8x128xf32, #tpu.memory_space<hbm>>
        %dma_wait3A_401 = tpu.memref_squeeze %dma_wait3A_400 : memref<1x8x1x8x128xf32, #tpu.memory_space<hbm>> -> memref<8x8x128xf32, #tpu.memory_space<hbm>>
        %dma_wait3A_402 = arith.constant 0 : i32
        %dma_wait3A_403 = arith.constant 0 : i32
        %dma_wait3A_404 = arith.constant 0 : i32
        %dma_wait3A_405 = tpu.memref_slice %arg4[%dma_wait3A_391, %dma_wait3A_402, %add3A, %dma_wait3A_403, %dma_wait3A_404] : memref<200x8x32x8x128xf32, #tpu.memory_space<hbm>> -> memref<1x8x1x8x128xf32, #tpu.memory_space<hbm>>
        %dma_wait3A_406 = tpu.memref_squeeze %dma_wait3A_405 : memref<1x8x1x8x128xf32, #tpu.memory_space<hbm>> -> memref<8x8x128xf32, #tpu.memory_space<hbm>>
        %dma_wait3A_407 = arith.constant 0 : i32
        %dma_wait3A_408 = arith.constant 0 : i32
        %dma_wait3A_409 = arith.constant 0 : i32
        %dma_wait3A_410 = tpu.memref_slice %arg7[%dma_wait3A_390, %dma_wait3A_407, %dma_wait3A_408, %dma_wait3A_409] : memref<4x8x8x129xf32, #tpu.memory_space<vmem>> -> memref<1x8x8x128xf32, #tpu.memory_space<vmem>>
        %dma_wait3A_411 = tpu.memref_squeeze %dma_wait3A_410 : memref<1x8x8x128xf32, #tpu.memory_space<vmem>> -> memref<8x8x128xf32, #tpu.memory_space<vmem>>
        tpu.wait_dma2 semaphore(%arg12 : memref<!tpu.dma_semaphore, #tpu.memory_space<semaphore_mem>>) src(%dma_wait3A_411 : memref<8x8x128xf32, #tpu.memory_space<vmem>>) dst(%dma_wait3A_406 : memref<8x8x128xf32, #tpu.memory_space<hbm>>)
      } else {
      }
      %parallel_loop3A = arith.constant 0 : i32
      %parallel_loop3A_205 = arith.constant 128 : i32
      %parallel_loop3A_206 = arith.constant 1 : i32
      scf.for %parallel_loop3A_390 = %parallel_loop3A to %parallel_loop3A_205 step %parallel_loop3A_206  : i32 {
        %parallel_loop3A_391 = arith.constant 0 : i32
        %parallel_loop3A_392 = vector.broadcast %parallel_loop3A_391 : i32 to vector<16xi32>
        %parallel_loop3A_393 = vector.broadcast %parallel_loop3A_390 : i32 to vector<16xi32>
        %parallel_loop3A_394 = arith.addi %parallel_loop3A_392, %parallel_loop3A_393 : vector<16xi32>
        %parallel_loop3A_395 = arith.constant 0 : i32
        %parallel_loop3A_396 = arith.index_cast %parallel_loop3A_395 : i32 to index
        %parallel_loop3A_397 = arith.index_cast %parallel_loop3A_390 : i32 to index
        %parallel_loop3A_398 = arith.constant 0 : index
        %parallel_loop3A_399 = tpu.vector_load %arg6[%parallel_loop3A_396, %parallel_loop3A_397, %parallel_loop3A_398] {strides = array<i32>} : memref<4x128x64xf32, #tpu.memory_space<vmem>>, vector<16xf32>,
        %parallel_loop3A_400 = arith.constant 8.000000e+00 : f32
        %parallel_loop3A_401 = vector.broadcast %parallel_loop3A_400 : f32 to vector<16xf32>
        %parallel_loop3A_402 = arith.mulf %parallel_loop3A_399, %parallel_loop3A_401 : vector<16xf32>
        %parallel_loop3A_403 = arith.constant 0 : i32
        %parallel_loop3A_404 = arith.constant 0 : i32
        %parallel_loop3A_405 = arith.constant 0 : i32
        %parallel_loop3A_406 = arith.constant 0 : i32
        %parallel_loop3A_407 = tpu.memref_slice %arg7[%parallel_loop3A_403, %parallel_loop3A_404, %parallel_loop3A_405, %parallel_loop3A_406] : memref<4x8x8x129xf32, #tpu.memory_space<vmem>> -> memref<1x8x8x129xf32, #tpu.memory_space<vmem>>
        %parallel_loop3A_408 = tpu.memref_squeeze %parallel_loop3A_407 : memref<1x8x8x129xf32, #tpu.memory_space<vmem>> -> memref<8x8x129xf32, #tpu.memory_space<vmem>>
        tpu.vector_store_idx %parallel_loop3A_408[%shift_right_arithmetic3A_53, %and3A_76, %parallel_loop3A_394], %parallel_loop3A_402 : memref<8x8x129xf32, #tpu.memory_space<vmem>>[vector<16xi32>, vector<16xi32>, vector<16xi32>], vector<16xf32>,
        %parallel_loop3A_409 = arith.constant 0 : i32
        %parallel_loop3A_410 = arith.index_cast %parallel_loop3A_409 : i32 to index
        %parallel_loop3A_411 = arith.index_cast %parallel_loop3A_390 : i32 to index
        %parallel_loop3A_412 = arith.constant 16 : index
        %parallel_loop3A_413 = tpu.vector_load %arg6[%parallel_loop3A_410, %parallel_loop3A_411, %parallel_loop3A_412] {strides = array<i32>} : memref<4x128x64xf32, #tpu.memory_space<vmem>>, vector<16xf32>,
        %parallel_loop3A_414 = arith.constant 8.000000e+00 : f32
        %parallel_loop3A_415 = vector.broadcast %parallel_loop3A_414 : f32 to vector<16xf32>
        %parallel_loop3A_416 = arith.mulf %parallel_loop3A_413, %parallel_loop3A_415 : vector<16xf32>
        %parallel_loop3A_417 = arith.constant 0 : i32
        %parallel_loop3A_418 = arith.constant 0 : i32
        %parallel_loop3A_419 = arith.constant 0 : i32
        %parallel_loop3A_420 = arith.constant 0 : i32
        %parallel_loop3A_421 = tpu.memref_slice %arg7[%parallel_loop3A_417, %parallel_loop3A_418, %parallel_loop3A_419, %parallel_loop3A_420] : memref<4x8x8x129xf32, #tpu.memory_space<vmem>> -> memref<1x8x8x129xf32, #tpu.memory_space<vmem>>
        %parallel_loop3A_422 = tpu.memref_squeeze %parallel_loop3A_421 : memref<1x8x8x129xf32, #tpu.memory_space<vmem>> -> memref<8x8x129xf32, #tpu.memory_space<vmem>>
        tpu.vector_store_idx %parallel_loop3A_422[%shift_right_arithmetic3A_59, %and3A_82, %parallel_loop3A_394], %parallel_loop3A_416 : memref<8x8x129xf32, #tpu.memory_space<vmem>>[vector<16xi32>, vector<16xi32>, vector<16xi32>], vector<16xf32>,
        %parallel_loop3A_423 = arith.constant 0 : i32
        %parallel_loop3A_424 = arith.index_cast %parallel_loop3A_423 : i32 to index
        %parallel_loop3A_425 = arith.index_cast %parallel_loop3A_390 : i32 to index
        %parallel_loop3A_426 = arith.constant 32 : index
        %parallel_loop3A_427 = tpu.vector_load %arg6[%parallel_loop3A_424, %parallel_loop3A_425, %parallel_loop3A_426] {strides = array<i32>} : memref<4x128x64xf32, #tpu.memory_space<vmem>>, vector<16xf32>,
        %parallel_loop3A_428 = arith.constant 8.000000e+00 : f32
        %parallel_loop3A_429 = vector.broadcast %parallel_loop3A_428 : f32 to vector<16xf32>
        %parallel_loop3A_430 = arith.mulf %parallel_loop3A_427, %parallel_loop3A_429 : vector<16xf32>
        %parallel_loop3A_431 = arith.constant 0 : i32
        %parallel_loop3A_432 = arith.constant 0 : i32
        %parallel_loop3A_433 = arith.constant 0 : i32
        %parallel_loop3A_434 = arith.constant 0 : i32
        %parallel_loop3A_435 = tpu.memref_slice %arg7[%parallel_loop3A_431, %parallel_loop3A_432, %parallel_loop3A_433, %parallel_loop3A_434] : memref<4x8x8x129xf32, #tpu.memory_space<vmem>> -> memref<1x8x8x129xf32, #tpu.memory_space<vmem>>
        %parallel_loop3A_436 = tpu.memref_squeeze %parallel_loop3A_435 : memref<1x8x8x129xf32, #tpu.memory_space<vmem>> -> memref<8x8x129xf32, #tpu.memory_space<vmem>>
        tpu.vector_store_idx %parallel_loop3A_436[%shift_right_arithmetic3A_65, %and3A_88, %parallel_loop3A_394], %parallel_loop3A_430 : memref<8x8x129xf32, #tpu.memory_space<vmem>>[vector<16xi32>, vector<16xi32>, vector<16xi32>], vector<16xf32>,
        %parallel_loop3A_437 = arith.constant 0 : i32
        %parallel_loop3A_438 = arith.index_cast %parallel_loop3A_437 : i32 to index
        %parallel_loop3A_439 = arith.index_cast %parallel_loop3A_390 : i32 to index
        %parallel_loop3A_440 = arith.constant 48 : index
        %parallel_loop3A_441 = tpu.vector_load %arg6[%parallel_loop3A_438, %parallel_loop3A_439, %parallel_loop3A_440] {strides = array<i32>} : memref<4x128x64xf32, #tpu.memory_space<vmem>>, vector<16xf32>,
        %parallel_loop3A_442 = arith.constant 8.000000e+00 : f32
        %parallel_loop3A_443 = vector.broadcast %parallel_loop3A_442 : f32 to vector<16xf32>
        %parallel_loop3A_444 = arith.mulf %parallel_loop3A_441, %parallel_loop3A_443 : vector<16xf32>
        %parallel_loop3A_445 = arith.constant 0 : i32
        %parallel_loop3A_446 = arith.constant 0 : i32
        %parallel_loop3A_447 = arith.constant 0 : i32
        %parallel_loop3A_448 = arith.constant 0 : i32
        %parallel_loop3A_449 = tpu.memref_slice %arg7[%parallel_loop3A_445, %parallel_loop3A_446, %parallel_loop3A_447, %parallel_loop3A_448] : memref<4x8x8x129xf32, #tpu.memory_space<vmem>> -> memref<1x8x8x129xf32, #tpu.memory_space<vmem>>
        %parallel_loop3A_450 = tpu.memref_squeeze %parallel_loop3A_449 : memref<1x8x8x129xf32, #tpu.memory_space<vmem>> -> memref<8x8x129xf32, #tpu.memory_space<vmem>>
        tpu.vector_store_idx %parallel_loop3A_450[%shift_right_arithmetic3A_71, %and3A_94, %parallel_loop3A_394], %parallel_loop3A_444 : memref<8x8x129xf32, #tpu.memory_space<vmem>>[vector<16xi32>, vector<16xi32>, vector<16xi32>], vector<16xf32>,
      } {sc.loop_unroll_factor = 4 : i64, sc.parallel_access}
      %dma_start3A_207 = arith.constant 0 : i32
      %dma_start3A_208 = arith.constant 0 : i32
      %dma_start3A_209 = arith.constant 0 : i32
      %dma_start3A_210 = arith.constant 0 : i32
      %dma_start3A_211 = tpu.memref_slice %arg7[%dma_start3A_207, %dma_start3A_208, %dma_start3A_209, %dma_start3A_210] : memref<4x8x8x129xf32, #tpu.memory_space<vmem>> -> memref<1x8x8x128xf32, #tpu.memory_space<vmem>>
      %dma_start3A_212 = tpu.memref_squeeze %dma_start3A_211 : memref<1x8x8x128xf32, #tpu.memory_space<vmem>> -> memref<8x8x128xf32, #tpu.memory_space<vmem>>
      %dma_start3A_213 = arith.constant 0 : i32
      %dma_start3A_214 = arith.constant 0 : i32
      %dma_start3A_215 = arith.constant 0 : i32
      %dma_start3A_216 = tpu.memref_slice %arg4[%add3A_190, %dma_start3A_213, %add3A, %dma_start3A_214, %dma_start3A_215] : memref<200x8x32x8x128xf32, #tpu.memory_space<hbm>> -> memref<1x8x1x8x128xf32, #tpu.memory_space<hbm>>
      %dma_start3A_217 = tpu.memref_squeeze %dma_start3A_216 : memref<1x8x1x8x128xf32, #tpu.memory_space<hbm>> -> memref<8x8x128xf32, #tpu.memory_space<hbm>>
      %dma_start3A_218 = arith.constant 0 : i32
      %dma_start3A_219 = arith.constant 0 : i32
      %dma_start3A_220 = arith.constant 0 : i32
      %dma_start3A_221 = tpu.memref_slice %arg4[%add3A_190, %dma_start3A_218, %add3A, %dma_start3A_219, %dma_start3A_220] : memref<200x8x32x8x128xf32, #tpu.memory_space<hbm>> -> memref<1x8x1x8x128xf32, #tpu.memory_space<hbm>>
      %dma_start3A_222 = tpu.memref_squeeze %dma_start3A_221 : memref<1x8x1x8x128xf32, #tpu.memory_space<hbm>> -> memref<8x8x128xf32, #tpu.memory_space<hbm>>
      %dma_start3A_223 = arith.constant 0 : i32
      %dma_start3A_224 = arith.constant 0 : i32
      %dma_start3A_225 = arith.constant 0 : i32
      %dma_start3A_226 = tpu.memref_slice %arg7[%dma_start3A_207, %dma_start3A_223, %dma_start3A_224, %dma_start3A_225] : memref<4x8x8x129xf32, #tpu.memory_space<vmem>> -> memref<1x8x8x128xf32, #tpu.memory_space<vmem>>
      %dma_start3A_227 = tpu.memref_squeeze %dma_start3A_226 : memref<1x8x8x128xf32, #tpu.memory_space<vmem>> -> memref<8x8x128xf32, #tpu.memory_space<vmem>>
      tpu.enqueue_dma source(%dma_start3A_227 : memref<8x8x128xf32, #tpu.memory_space<vmem>>) target(%dma_start3A_222 : memref<8x8x128xf32, #tpu.memory_space<hbm>>) target_semaphore(%arg12 : memref<!tpu.dma_semaphore, #tpu.memory_space<semaphore_mem>>)
      %add3A_228 = arith.constant 4 : i32
      %add3A_229 = arith.addi %add3A_190, %add3A_228 : i32
      %lt3A = arith.constant 200 : i32
      %lt3A_230 = arith.cmpi slt, %add3A_229, %lt3A : i32
      %convert_element_type3A_231 = arith.extui %lt3A_230 : i1 to i32
      %cond3A_232 = arith.constant 0 : i32
      %cond3A_233 = arith.cmpi ne, %convert_element_type3A_231, %cond3A_232 : i32
      scf.if %cond3A_233 {
        %add3A_390 = arith.constant 4 : i32
        %add3A_391 = arith.addi %add3A_190, %add3A_390 : i32
        %dma_start3A_392 = arith.constant 0 : i32
        %dma_start3A_393 = arith.constant 0 : i32
        %dma_start3A_394 = arith.constant 0 : i32
        %dma_start3A_395 = tpu.memref_slice %arg6[%dma_start3A_392, %dma_start3A_393, %dma_start3A_394] : memref<4x128x64xf32, #tpu.memory_space<vmem>> -> memref<1x128x64xf32, #tpu.memory_space<vmem>>
        %dma_start3A_396 = tpu.memref_squeeze %dma_start3A_395 : memref<1x128x64xf32, #tpu.memory_space<vmem>> -> memref<128x64xf32, #tpu.memory_space<vmem>>
        %dma_start3A_397 = arith.constant 0 : i32
        %dma_start3A_398 = tpu.memref_slice %arg5[%add3A_391, %dma_start3A_397] : memref<200x128xi32, #tpu.memory_space<vmem>> -> memref<1x128xi32, #tpu.memory_space<vmem>>
        %dma_start3A_399 = tpu.memref_squeeze %dma_start3A_398 : memref<1x128xi32, #tpu.memory_space<vmem>> -> memref<128xi32, #tpu.memory_space<vmem>>
        %dma_start3A_400 = arith.constant 0 : i32
        %dma_start3A_401 = arith.constant 0 : i32
        %dma_start3A_402 = tpu.memref_slice %arg3[%dma_start3A_400, %dma_start3A_401] : memref<1000000x64xf32, #tpu.memory_space<hbm>> -> memref<1000000x64xf32, #tpu.memory_space<hbm>>
        tpu.enqueue_indirect_dma source(%dma_start3A_402 : memref<1000000x64xf32, #tpu.memory_space<hbm>>) target(%dma_start3A_396 : memref<128x64xf32, #tpu.memory_space<vmem>>) offsets(%dma_start3A_399 : memref<128xi32, #tpu.memory_space<vmem>>) semaphore(%arg8 : memref<!tpu.dma_semaphore, #tpu.memory_space<semaphore_mem>>)
      } else {
      }
      %mul3A_234 = arith.constant 4 : i32
      %mul3A_235 = arith.muli %scan3A_186, %mul3A_234 : i32
      %add3A_236 = arith.constant 1 : i32
      %add3A_237 = arith.addi %mul3A_235, %add3A_236 : i32
      %dma_wait3A_238 = arith.constant 0 : i32
      %dma_wait3A_239 = arith.constant 1 : i32
      %dma_wait3A_240 = arith.constant 0 : i32
      %dma_wait3A_241 = arith.constant 0 : i32
      %dma_wait3A_242 = tpu.memref_slice %arg6[%dma_wait3A_239, %dma_wait3A_240, %dma_wait3A_241] : memref<4x128x64xf32, #tpu.memory_space<vmem>> -> memref<1x128x64xf32, #tpu.memory_space<vmem>>
      %dma_wait3A_243 = tpu.memref_squeeze %dma_wait3A_242 : memref<1x128x64xf32, #tpu.memory_space<vmem>> -> memref<128x64xf32, #tpu.memory_space<vmem>>
      %dma_wait3A_244 = arith.constant 0 : i32
      %dma_wait3A_245 = tpu.memref_slice %arg5[%dma_wait3A_238, %dma_wait3A_244] : memref<200x128xi32, #tpu.memory_space<vmem>> -> memref<1x128xi32, #tpu.memory_space<vmem>>
      %dma_wait3A_246 = tpu.memref_squeeze %dma_wait3A_245 : memref<1x128xi32, #tpu.memory_space<vmem>> -> memref<128xi32, #tpu.memory_space<vmem>>
      %dma_wait3A_247 = arith.constant 0 : i32
      %dma_wait3A_248 = arith.constant 0 : i32
      %dma_wait3A_249 = tpu.memref_slice %arg3[%dma_wait3A_247, %dma_wait3A_248] : memref<1000000x64xf32, #tpu.memory_space<hbm>> -> memref<1000000x64xf32, #tpu.memory_space<hbm>>
      tpu.wait_indirect_dma semaphore(%arg9 : memref<!tpu.dma_semaphore, #tpu.memory_space<semaphore_mem>>) src(%dma_wait3A_249 : memref<1000000x64xf32, #tpu.memory_space<hbm>>) dst(%dma_wait3A_243 : memref<128x64xf32, #tpu.memory_space<vmem>>)
      %ge3A_250 = arith.constant 4 : i32
      %ge3A_251 = arith.cmpi sge, %add3A_237, %ge3A_250 : i32
      %convert_element_type3A_252 = arith.extui %ge3A_251 : i1 to i32
      %cond3A_253 = arith.constant 0 : i32
      %cond3A_254 = arith.cmpi ne, %convert_element_type3A_252, %cond3A_253 : i32
      scf.if %cond3A_254 {
        %dma_wait3A_390 = arith.constant 1 : i32
        %dma_wait3A_391 = arith.constant 0 : i32
        %dma_wait3A_392 = arith.constant 0 : i32
        %dma_wait3A_393 = arith.constant 0 : i32
        %dma_wait3A_394 = arith.constant 0 : i32
        %dma_wait3A_395 = tpu.memref_slice %arg7[%dma_wait3A_390, %dma_wait3A_392, %dma_wait3A_393, %dma_wait3A_394] : memref<4x8x8x129xf32, #tpu.memory_space<vmem>> -> memref<1x8x8x128xf32, #tpu.memory_space<vmem>>
        %dma_wait3A_396 = tpu.memref_squeeze %dma_wait3A_395 : memref<1x8x8x128xf32, #tpu.memory_space<vmem>> -> memref<8x8x128xf32, #tpu.memory_space<vmem>>
        %dma_wait3A_397 = arith.constant 0 : i32
        %dma_wait3A_398 = arith.constant 0 : i32
        %dma_wait3A_399 = arith.constant 0 : i32
        %dma_wait3A_400 = tpu.memref_slice %arg4[%dma_wait3A_391, %dma_wait3A_397, %add3A, %dma_wait3A_398, %dma_wait3A_399] : memref<200x8x32x8x128xf32, #tpu.memory_space<hbm>> -> memref<1x8x1x8x128xf32, #tpu.memory_space<hbm>>
        %dma_wait3A_401 = tpu.memref_squeeze %dma_wait3A_400 : memref<1x8x1x8x128xf32, #tpu.memory_space<hbm>> -> memref<8x8x128xf32, #tpu.memory_space<hbm>>
        %dma_wait3A_402 = arith.constant 0 : i32
        %dma_wait3A_403 = arith.constant 0 : i32
        %dma_wait3A_404 = arith.constant 0 : i32
        %dma_wait3A_405 = tpu.memref_slice %arg4[%dma_wait3A_391, %dma_wait3A_402, %add3A, %dma_wait3A_403, %dma_wait3A_404] : memref<200x8x32x8x128xf32, #tpu.memory_space<hbm>> -> memref<1x8x1x8x128xf32, #tpu.memory_space<hbm>>
        %dma_wait3A_406 = tpu.memref_squeeze %dma_wait3A_405 : memref<1x8x1x8x128xf32, #tpu.memory_space<hbm>> -> memref<8x8x128xf32, #tpu.memory_space<hbm>>
        %dma_wait3A_407 = arith.constant 0 : i32
        %dma_wait3A_408 = arith.constant 0 : i32
        %dma_wait3A_409 = arith.constant 0 : i32
        %dma_wait3A_410 = tpu.memref_slice %arg7[%dma_wait3A_390, %dma_wait3A_407, %dma_wait3A_408, %dma_wait3A_409] : memref<4x8x8x129xf32, #tpu.memory_space<vmem>> -> memref<1x8x8x128xf32, #tpu.memory_space<vmem>>
        %dma_wait3A_411 = tpu.memref_squeeze %dma_wait3A_410 : memref<1x8x8x128xf32, #tpu.memory_space<vmem>> -> memref<8x8x128xf32, #tpu.memory_space<vmem>>
        tpu.wait_dma2 semaphore(%arg13 : memref<!tpu.dma_semaphore, #tpu.memory_space<semaphore_mem>>) src(%dma_wait3A_411 : memref<8x8x128xf32, #tpu.memory_space<vmem>>) dst(%dma_wait3A_406 : memref<8x8x128xf32, #tpu.memory_space<hbm>>)
      } else {
      }
      %parallel_loop3A_255 = arith.constant 0 : i32
      %parallel_loop3A_256 = arith.constant 128 : i32
      %parallel_loop3A_257 = arith.constant 1 : i32
      scf.for %parallel_loop3A_390 = %parallel_loop3A_255 to %parallel_loop3A_256 step %parallel_loop3A_257  : i32 {
        %parallel_loop3A_391 = arith.constant 0 : i32
        %parallel_loop3A_392 = vector.broadcast %parallel_loop3A_391 : i32 to vector<16xi32>
        %parallel_loop3A_393 = vector.broadcast %parallel_loop3A_390 : i32 to vector<16xi32>
        %parallel_loop3A_394 = arith.addi %parallel_loop3A_392, %parallel_loop3A_393 : vector<16xi32>
        %parallel_loop3A_395 = arith.constant 1 : i32
        %parallel_loop3A_396 = arith.index_cast %parallel_loop3A_395 : i32 to index
        %parallel_loop3A_397 = arith.index_cast %parallel_loop3A_390 : i32 to index
        %parallel_loop3A_398 = arith.constant 0 : index
        %parallel_loop3A_399 = tpu.vector_load %arg6[%parallel_loop3A_396, %parallel_loop3A_397, %parallel_loop3A_398] {strides = array<i32>} : memref<4x128x64xf32, #tpu.memory_space<vmem>>, vector<16xf32>,
        %parallel_loop3A_400 = arith.constant 8.000000e+00 : f32
        %parallel_loop3A_401 = vector.broadcast %parallel_loop3A_400 : f32 to vector<16xf32>
        %parallel_loop3A_402 = arith.mulf %parallel_loop3A_399, %parallel_loop3A_401 : vector<16xf32>
        %parallel_loop3A_403 = arith.constant 1 : i32
        %parallel_loop3A_404 = arith.constant 0 : i32
        %parallel_loop3A_405 = arith.constant 0 : i32
        %parallel_loop3A_406 = arith.constant 0 : i32
        %parallel_loop3A_407 = tpu.memref_slice %arg7[%parallel_loop3A_403, %parallel_loop3A_404, %parallel_loop3A_405, %parallel_loop3A_406] : memref<4x8x8x129xf32, #tpu.memory_space<vmem>> -> memref<1x8x8x129xf32, #tpu.memory_space<vmem>>
        %parallel_loop3A_408 = tpu.memref_squeeze %parallel_loop3A_407 : memref<1x8x8x129xf32, #tpu.memory_space<vmem>> -> memref<8x8x129xf32, #tpu.memory_space<vmem>>
        tpu.vector_store_idx %parallel_loop3A_408[%shift_right_arithmetic3A_53, %and3A_76, %parallel_loop3A_394], %parallel_loop3A_402 : memref<8x8x129xf32, #tpu.memory_space<vmem>>[vector<16xi32>, vector<16xi32>, vector<16xi32>], vector<16xf32>,
        %parallel_loop3A_409 = arith.constant 1 : i32
        %parallel_loop3A_410 = arith.index_cast %parallel_loop3A_409 : i32 to index
        %parallel_loop3A_411 = arith.index_cast %parallel_loop3A_390 : i32 to index
        %parallel_loop3A_412 = arith.constant 16 : index
        %parallel_loop3A_413 = tpu.vector_load %arg6[%parallel_loop3A_410, %parallel_loop3A_411, %parallel_loop3A_412] {strides = array<i32>} : memref<4x128x64xf32, #tpu.memory_space<vmem>>, vector<16xf32>,
        %parallel_loop3A_414 = arith.constant 8.000000e+00 : f32
        %parallel_loop3A_415 = vector.broadcast %parallel_loop3A_414 : f32 to vector<16xf32>
        %parallel_loop3A_416 = arith.mulf %parallel_loop3A_413, %parallel_loop3A_415 : vector<16xf32>
        %parallel_loop3A_417 = arith.constant 1 : i32
        %parallel_loop3A_418 = arith.constant 0 : i32
        %parallel_loop3A_419 = arith.constant 0 : i32
        %parallel_loop3A_420 = arith.constant 0 : i32
        %parallel_loop3A_421 = tpu.memref_slice %arg7[%parallel_loop3A_417, %parallel_loop3A_418, %parallel_loop3A_419, %parallel_loop3A_420] : memref<4x8x8x129xf32, #tpu.memory_space<vmem>> -> memref<1x8x8x129xf32, #tpu.memory_space<vmem>>
        %parallel_loop3A_422 = tpu.memref_squeeze %parallel_loop3A_421 : memref<1x8x8x129xf32, #tpu.memory_space<vmem>> -> memref<8x8x129xf32, #tpu.memory_space<vmem>>
        tpu.vector_store_idx %parallel_loop3A_422[%shift_right_arithmetic3A_59, %and3A_82, %parallel_loop3A_394], %parallel_loop3A_416 : memref<8x8x129xf32, #tpu.memory_space<vmem>>[vector<16xi32>, vector<16xi32>, vector<16xi32>], vector<16xf32>,
        %parallel_loop3A_423 = arith.constant 1 : i32
        %parallel_loop3A_424 = arith.index_cast %parallel_loop3A_423 : i32 to index
        %parallel_loop3A_425 = arith.index_cast %parallel_loop3A_390 : i32 to index
        %parallel_loop3A_426 = arith.constant 32 : index
        %parallel_loop3A_427 = tpu.vector_load %arg6[%parallel_loop3A_424, %parallel_loop3A_425, %parallel_loop3A_426] {strides = array<i32>} : memref<4x128x64xf32, #tpu.memory_space<vmem>>, vector<16xf32>,
        %parallel_loop3A_428 = arith.constant 8.000000e+00 : f32
        %parallel_loop3A_429 = vector.broadcast %parallel_loop3A_428 : f32 to vector<16xf32>
        %parallel_loop3A_430 = arith.mulf %parallel_loop3A_427, %parallel_loop3A_429 : vector<16xf32>
        %parallel_loop3A_431 = arith.constant 1 : i32
        %parallel_loop3A_432 = arith.constant 0 : i32
        %parallel_loop3A_433 = arith.constant 0 : i32
        %parallel_loop3A_434 = arith.constant 0 : i32
        %parallel_loop3A_435 = tpu.memref_slice %arg7[%parallel_loop3A_431, %parallel_loop3A_432, %parallel_loop3A_433, %parallel_loop3A_434] : memref<4x8x8x129xf32, #tpu.memory_space<vmem>> -> memref<1x8x8x129xf32, #tpu.memory_space<vmem>>
        %parallel_loop3A_436 = tpu.memref_squeeze %parallel_loop3A_435 : memref<1x8x8x129xf32, #tpu.memory_space<vmem>> -> memref<8x8x129xf32, #tpu.memory_space<vmem>>
        tpu.vector_store_idx %parallel_loop3A_436[%shift_right_arithmetic3A_65, %and3A_88, %parallel_loop3A_394], %parallel_loop3A_430 : memref<8x8x129xf32, #tpu.memory_space<vmem>>[vector<16xi32>, vector<16xi32>, vector<16xi32>], vector<16xf32>,
        %parallel_loop3A_437 = arith.constant 1 : i32
        %parallel_loop3A_438 = arith.index_cast %parallel_loop3A_437 : i32 to index
        %parallel_loop3A_439 = arith.index_cast %parallel_loop3A_390 : i32 to index
        %parallel_loop3A_440 = arith.constant 48 : index
        %parallel_loop3A_441 = tpu.vector_load %arg6[%parallel_loop3A_438, %parallel_loop3A_439, %parallel_loop3A_440] {strides = array<i32>} : memref<4x128x64xf32, #tpu.memory_space<vmem>>, vector<16xf32>,
        %parallel_loop3A_442 = arith.constant 8.000000e+00 : f32
        %parallel_loop3A_443 = vector.broadcast %parallel_loop3A_442 : f32 to vector<16xf32>
        %parallel_loop3A_444 = arith.mulf %parallel_loop3A_441, %parallel_loop3A_443 : vector<16xf32>
        %parallel_loop3A_445 = arith.constant 1 : i32
        %parallel_loop3A_446 = arith.constant 0 : i32
        %parallel_loop3A_447 = arith.constant 0 : i32
        %parallel_loop3A_448 = arith.constant 0 : i32
        %parallel_loop3A_449 = tpu.memref_slice %arg7[%parallel_loop3A_445, %parallel_loop3A_446, %parallel_loop3A_447, %parallel_loop3A_448] : memref<4x8x8x129xf32, #tpu.memory_space<vmem>> -> memref<1x8x8x129xf32, #tpu.memory_space<vmem>>
        %parallel_loop3A_450 = tpu.memref_squeeze %parallel_loop3A_449 : memref<1x8x8x129xf32, #tpu.memory_space<vmem>> -> memref<8x8x129xf32, #tpu.memory_space<vmem>>
        tpu.vector_store_idx %parallel_loop3A_450[%shift_right_arithmetic3A_71, %and3A_94, %parallel_loop3A_394], %parallel_loop3A_444 : memref<8x8x129xf32, #tpu.memory_space<vmem>>[vector<16xi32>, vector<16xi32>, vector<16xi32>], vector<16xf32>,
      } {sc.loop_unroll_factor = 4 : i64, sc.parallel_access}
      %dma_start3A_258 = arith.constant 1 : i32
      %dma_start3A_259 = arith.constant 0 : i32
      %dma_start3A_260 = arith.constant 0 : i32
      %dma_start3A_261 = arith.constant 0 : i32
      %dma_start3A_262 = tpu.memref_slice %arg7[%dma_start3A_258, %dma_start3A_259, %dma_start3A_260, %dma_start3A_261] : memref<4x8x8x129xf32, #tpu.memory_space<vmem>> -> memref<1x8x8x128xf32, #tpu.memory_space<vmem>>
      %dma_start3A_263 = tpu.memref_squeeze %dma_start3A_262 : memref<1x8x8x128xf32, #tpu.memory_space<vmem>> -> memref<8x8x128xf32, #tpu.memory_space<vmem>>
      %dma_start3A_264 = arith.constant 0 : i32
      %dma_start3A_265 = arith.constant 0 : i32
      %dma_start3A_266 = arith.constant 0 : i32
      %dma_start3A_267 = tpu.memref_slice %arg4[%add3A_237, %dma_start3A_264, %add3A, %dma_start3A_265, %dma_start3A_266] : memref<200x8x32x8x128xf32, #tpu.memory_space<hbm>> -> memref<1x8x1x8x128xf32, #tpu.memory_space<hbm>>
      %dma_start3A_268 = tpu.memref_squeeze %dma_start3A_267 : memref<1x8x1x8x128xf32, #tpu.memory_space<hbm>> -> memref<8x8x128xf32, #tpu.memory_space<hbm>>
      %dma_start3A_269 = arith.constant 0 : i32
      %dma_start3A_270 = arith.constant 0 : i32
      %dma_start3A_271 = arith.constant 0 : i32
      %dma_start3A_272 = tpu.memref_slice %arg4[%add3A_237, %dma_start3A_269, %add3A, %dma_start3A_270, %dma_start3A_271] : memref<200x8x32x8x128xf32, #tpu.memory_space<hbm>> -> memref<1x8x1x8x128xf32, #tpu.memory_space<hbm>>
      %dma_start3A_273 = tpu.memref_squeeze %dma_start3A_272 : memref<1x8x1x8x128xf32, #tpu.memory_space<hbm>> -> memref<8x8x128xf32, #tpu.memory_space<hbm>>
      %dma_start3A_274 = arith.constant 0 : i32
      %dma_start3A_275 = arith.constant 0 : i32
      %dma_start3A_276 = arith.constant 0 : i32
      %dma_start3A_277 = tpu.memref_slice %arg7[%dma_start3A_258, %dma_start3A_274, %dma_start3A_275, %dma_start3A_276] : memref<4x8x8x129xf32, #tpu.memory_space<vmem>> -> memref<1x8x8x128xf32, #tpu.memory_space<vmem>>
      %dma_start3A_278 = tpu.memref_squeeze %dma_start3A_277 : memref<1x8x8x128xf32, #tpu.memory_space<vmem>> -> memref<8x8x128xf32, #tpu.memory_space<vmem>>
      tpu.enqueue_dma source(%dma_start3A_278 : memref<8x8x128xf32, #tpu.memory_space<vmem>>) target(%dma_start3A_273 : memref<8x8x128xf32, #tpu.memory_space<hbm>>) target_semaphore(%arg13 : memref<!tpu.dma_semaphore, #tpu.memory_space<semaphore_mem>>)
      %add3A_279 = arith.constant 4 : i32
      %add3A_280 = arith.addi %add3A_237, %add3A_279 : i32
      %lt3A_281 = arith.constant 200 : i32
      %lt3A_282 = arith.cmpi slt, %add3A_280, %lt3A_281 : i32
      %convert_element_type3A_283 = arith.extui %lt3A_282 : i1 to i32
      %cond3A_284 = arith.constant 0 : i32
      %cond3A_285 = arith.cmpi ne, %convert_element_type3A_283, %cond3A_284 : i32
      scf.if %cond3A_285 {
        %add3A_390 = arith.constant 4 : i32
        %add3A_391 = arith.addi %add3A_237, %add3A_390 : i32
        %dma_start3A_392 = arith.constant 1 : i32
        %dma_start3A_393 = arith.constant 0 : i32
        %dma_start3A_394 = arith.constant 0 : i32
        %dma_start3A_395 = tpu.memref_slice %arg6[%dma_start3A_392, %dma_start3A_393, %dma_start3A_394] : memref<4x128x64xf32, #tpu.memory_space<vmem>> -> memref<1x128x64xf32, #tpu.memory_space<vmem>>
        %dma_start3A_396 = tpu.memref_squeeze %dma_start3A_395 : memref<1x128x64xf32, #tpu.memory_space<vmem>> -> memref<128x64xf32, #tpu.memory_space<vmem>>
        %dma_start3A_397 = arith.constant 0 : i32
        %dma_start3A_398 = tpu.memref_slice %arg5[%add3A_391, %dma_start3A_397] : memref<200x128xi32, #tpu.memory_space<vmem>> -> memref<1x128xi32, #tpu.memory_space<vmem>>
        %dma_start3A_399 = tpu.memref_squeeze %dma_start3A_398 : memref<1x128xi32, #tpu.memory_space<vmem>> -> memref<128xi32, #tpu.memory_space<vmem>>
        %dma_start3A_400 = arith.constant 0 : i32
        %dma_start3A_401 = arith.constant 0 : i32
        %dma_start3A_402 = tpu.memref_slice %arg3[%dma_start3A_400, %dma_start3A_401] : memref<1000000x64xf32, #tpu.memory_space<hbm>> -> memref<1000000x64xf32, #tpu.memory_space<hbm>>
        tpu.enqueue_indirect_dma source(%dma_start3A_402 : memref<1000000x64xf32, #tpu.memory_space<hbm>>) target(%dma_start3A_396 : memref<128x64xf32, #tpu.memory_space<vmem>>) offsets(%dma_start3A_399 : memref<128xi32, #tpu.memory_space<vmem>>) semaphore(%arg9 : memref<!tpu.dma_semaphore, #tpu.memory_space<semaphore_mem>>)
      } else {
      }
      %mul3A_286 = arith.constant 4 : i32
      %mul3A_287 = arith.muli %scan3A_186, %mul3A_286 : i32
      %add3A_288 = arith.constant 2 : i32
      %add3A_289 = arith.addi %mul3A_287, %add3A_288 : i32
      %dma_wait3A_290 = arith.constant 0 : i32
      %dma_wait3A_291 = arith.constant 2 : i32
      %dma_wait3A_292 = arith.constant 0 : i32
      %dma_wait3A_293 = arith.constant 0 : i32
      %dma_wait3A_294 = tpu.memref_slice %arg6[%dma_wait3A_291, %dma_wait3A_292, %dma_wait3A_293] : memref<4x128x64xf32, #tpu.memory_space<vmem>> -> memref<1x128x64xf32, #tpu.memory_space<vmem>>
      %dma_wait3A_295 = tpu.memref_squeeze %dma_wait3A_294 : memref<1x128x64xf32, #tpu.memory_space<vmem>> -> memref<128x64xf32, #tpu.memory_space<vmem>>
      %dma_wait3A_296 = arith.constant 0 : i32
      %dma_wait3A_297 = tpu.memref_slice %arg5[%dma_wait3A_290, %dma_wait3A_296] : memref<200x128xi32, #tpu.memory_space<vmem>> -> memref<1x128xi32, #tpu.memory_space<vmem>>
      %dma_wait3A_298 = tpu.memref_squeeze %dma_wait3A_297 : memref<1x128xi32, #tpu.memory_space<vmem>> -> memref<128xi32, #tpu.memory_space<vmem>>
      %dma_wait3A_299 = arith.constant 0 : i32
      %dma_wait3A_300 = arith.constant 0 : i32
      %dma_wait3A_301 = tpu.memref_slice %arg3[%dma_wait3A_299, %dma_wait3A_300] : memref<1000000x64xf32, #tpu.memory_space<hbm>> -> memref<1000000x64xf32, #tpu.memory_space<hbm>>
      tpu.wait_indirect_dma semaphore(%arg10 : memref<!tpu.dma_semaphore, #tpu.memory_space<semaphore_mem>>) src(%dma_wait3A_301 : memref<1000000x64xf32, #tpu.memory_space<hbm>>) dst(%dma_wait3A_295 : memref<128x64xf32, #tpu.memory_space<vmem>>)
      %ge3A_302 = arith.constant 4 : i32
      %ge3A_303 = arith.cmpi sge, %add3A_289, %ge3A_302 : i32
      %convert_element_type3A_304 = arith.extui %ge3A_303 : i1 to i32
      %cond3A_305 = arith.constant 0 : i32
      %cond3A_306 = arith.cmpi ne, %convert_element_type3A_304, %cond3A_305 : i32
      scf.if %cond3A_306 {
        %dma_wait3A_390 = arith.constant 2 : i32
        %dma_wait3A_391 = arith.constant 0 : i32
        %dma_wait3A_392 = arith.constant 0 : i32
        %dma_wait3A_393 = arith.constant 0 : i32
        %dma_wait3A_394 = arith.constant 0 : i32
        %dma_wait3A_395 = tpu.memref_slice %arg7[%dma_wait3A_390, %dma_wait3A_392, %dma_wait3A_393, %dma_wait3A_394] : memref<4x8x8x129xf32, #tpu.memory_space<vmem>> -> memref<1x8x8x128xf32, #tpu.memory_space<vmem>>
        %dma_wait3A_396 = tpu.memref_squeeze %dma_wait3A_395 : memref<1x8x8x128xf32, #tpu.memory_space<vmem>> -> memref<8x8x128xf32, #tpu.memory_space<vmem>>
        %dma_wait3A_397 = arith.constant 0 : i32
        %dma_wait3A_398 = arith.constant 0 : i32
        %dma_wait3A_399 = arith.constant 0 : i32
        %dma_wait3A_400 = tpu.memref_slice %arg4[%dma_wait3A_391, %dma_wait3A_397, %add3A, %dma_wait3A_398, %dma_wait3A_399] : memref<200x8x32x8x128xf32, #tpu.memory_space<hbm>> -> memref<1x8x1x8x128xf32, #tpu.memory_space<hbm>>
        %dma_wait3A_401 = tpu.memref_squeeze %dma_wait3A_400 : memref<1x8x1x8x128xf32, #tpu.memory_space<hbm>> -> memref<8x8x128xf32, #tpu.memory_space<hbm>>
        %dma_wait3A_402 = arith.constant 0 : i32
        %dma_wait3A_403 = arith.constant 0 : i32
        %dma_wait3A_404 = arith.constant 0 : i32
        %dma_wait3A_405 = tpu.memref_slice %arg4[%dma_wait3A_391, %dma_wait3A_402, %add3A, %dma_wait3A_403, %dma_wait3A_404] : memref<200x8x32x8x128xf32, #tpu.memory_space<hbm>> -> memref<1x8x1x8x128xf32, #tpu.memory_space<hbm>>
        %dma_wait3A_406 = tpu.memref_squeeze %dma_wait3A_405 : memref<1x8x1x8x128xf32, #tpu.memory_space<hbm>> -> memref<8x8x128xf32, #tpu.memory_space<hbm>>
        %dma_wait3A_407 = arith.constant 0 : i32
        %dma_wait3A_408 = arith.constant 0 : i32
        %dma_wait3A_409 = arith.constant 0 : i32
        %dma_wait3A_410 = tpu.memref_slice %arg7[%dma_wait3A_390, %dma_wait3A_407, %dma_wait3A_408, %dma_wait3A_409] : memref<4x8x8x129xf32, #tpu.memory_space<vmem>> -> memref<1x8x8x128xf32, #tpu.memory_space<vmem>>
        %dma_wait3A_411 = tpu.memref_squeeze %dma_wait3A_410 : memref<1x8x8x128xf32, #tpu.memory_space<vmem>> -> memref<8x8x128xf32, #tpu.memory_space<vmem>>
        tpu.wait_dma2 semaphore(%arg14 : memref<!tpu.dma_semaphore, #tpu.memory_space<semaphore_mem>>) src(%dma_wait3A_411 : memref<8x8x128xf32, #tpu.memory_space<vmem>>) dst(%dma_wait3A_406 : memref<8x8x128xf32, #tpu.memory_space<hbm>>)
      } else {
      }
      %parallel_loop3A_307 = arith.constant 0 : i32
      %parallel_loop3A_308 = arith.constant 128 : i32
      %parallel_loop3A_309 = arith.constant 1 : i32
      scf.for %parallel_loop3A_390 = %parallel_loop3A_307 to %parallel_loop3A_308 step %parallel_loop3A_309  : i32 {
        %parallel_loop3A_391 = arith.constant 0 : i32
        %parallel_loop3A_392 = vector.broadcast %parallel_loop3A_391 : i32 to vector<16xi32>
        %parallel_loop3A_393 = vector.broadcast %parallel_loop3A_390 : i32 to vector<16xi32>
        %parallel_loop3A_394 = arith.addi %parallel_loop3A_392, %parallel_loop3A_393 : vector<16xi32>
        %parallel_loop3A_395 = arith.constant 2 : i32
        %parallel_loop3A_396 = arith.index_cast %parallel_loop3A_395 : i32 to index
        %parallel_loop3A_397 = arith.index_cast %parallel_loop3A_390 : i32 to index
        %parallel_loop3A_398 = arith.constant 0 : index
        %parallel_loop3A_399 = tpu.vector_load %arg6[%parallel_loop3A_396, %parallel_loop3A_397, %parallel_loop3A_398] {strides = array<i32>} : memref<4x128x64xf32, #tpu.memory_space<vmem>>, vector<16xf32>,
        %parallel_loop3A_400 = arith.constant 8.000000e+00 : f32
        %parallel_loop3A_401 = vector.broadcast %parallel_loop3A_400 : f32 to vector<16xf32>
        %parallel_loop3A_402 = arith.mulf %parallel_loop3A_399, %parallel_loop3A_401 : vector<16xf32>
        %parallel_loop3A_403 = arith.constant 2 : i32
        %parallel_loop3A_404 = arith.constant 0 : i32
        %parallel_loop3A_405 = arith.constant 0 : i32
        %parallel_loop3A_406 = arith.constant 0 : i32
        %parallel_loop3A_407 = tpu.memref_slice %arg7[%parallel_loop3A_403, %parallel_loop3A_404, %parallel_loop3A_405, %parallel_loop3A_406] : memref<4x8x8x129xf32, #tpu.memory_space<vmem>> -> memref<1x8x8x129xf32, #tpu.memory_space<vmem>>
        %parallel_loop3A_408 = tpu.memref_squeeze %parallel_loop3A_407 : memref<1x8x8x129xf32, #tpu.memory_space<vmem>> -> memref<8x8x129xf32, #tpu.memory_space<vmem>>
        tpu.vector_store_idx %parallel_loop3A_408[%shift_right_arithmetic3A_53, %and3A_76, %parallel_loop3A_394], %parallel_loop3A_402 : memref<8x8x129xf32, #tpu.memory_space<vmem>>[vector<16xi32>, vector<16xi32>, vector<16xi32>], vector<16xf32>,
        %parallel_loop3A_409 = arith.constant 2 : i32
        %parallel_loop3A_410 = arith.index_cast %parallel_loop3A_409 : i32 to index
        %parallel_loop3A_411 = arith.index_cast %parallel_loop3A_390 : i32 to index
        %parallel_loop3A_412 = arith.constant 16 : index
        %parallel_loop3A_413 = tpu.vector_load %arg6[%parallel_loop3A_410, %parallel_loop3A_411, %parallel_loop3A_412] {strides = array<i32>} : memref<4x128x64xf32, #tpu.memory_space<vmem>>, vector<16xf32>,
        %parallel_loop3A_414 = arith.constant 8.000000e+00 : f32
        %parallel_loop3A_415 = vector.broadcast %parallel_loop3A_414 : f32 to vector<16xf32>
        %parallel_loop3A_416 = arith.mulf %parallel_loop3A_413, %parallel_loop3A_415 : vector<16xf32>
        %parallel_loop3A_417 = arith.constant 2 : i32
        %parallel_loop3A_418 = arith.constant 0 : i32
        %parallel_loop3A_419 = arith.constant 0 : i32
        %parallel_loop3A_420 = arith.constant 0 : i32
        %parallel_loop3A_421 = tpu.memref_slice %arg7[%parallel_loop3A_417, %parallel_loop3A_418, %parallel_loop3A_419, %parallel_loop3A_420] : memref<4x8x8x129xf32, #tpu.memory_space<vmem>> -> memref<1x8x8x129xf32, #tpu.memory_space<vmem>>
        %parallel_loop3A_422 = tpu.memref_squeeze %parallel_loop3A_421 : memref<1x8x8x129xf32, #tpu.memory_space<vmem>> -> memref<8x8x129xf32, #tpu.memory_space<vmem>>
        tpu.vector_store_idx %parallel_loop3A_422[%shift_right_arithmetic3A_59, %and3A_82, %parallel_loop3A_394], %parallel_loop3A_416 : memref<8x8x129xf32, #tpu.memory_space<vmem>>[vector<16xi32>, vector<16xi32>, vector<16xi32>], vector<16xf32>,
        %parallel_loop3A_423 = arith.constant 2 : i32
        %parallel_loop3A_424 = arith.index_cast %parallel_loop3A_423 : i32 to index
        %parallel_loop3A_425 = arith.index_cast %parallel_loop3A_390 : i32 to index
        %parallel_loop3A_426 = arith.constant 32 : index
        %parallel_loop3A_427 = tpu.vector_load %arg6[%parallel_loop3A_424, %parallel_loop3A_425, %parallel_loop3A_426] {strides = array<i32>} : memref<4x128x64xf32, #tpu.memory_space<vmem>>, vector<16xf32>,
        %parallel_loop3A_428 = arith.constant 8.000000e+00 : f32
        %parallel_loop3A_429 = vector.broadcast %parallel_loop3A_428 : f32 to vector<16xf32>
        %parallel_loop3A_430 = arith.mulf %parallel_loop3A_427, %parallel_loop3A_429 : vector<16xf32>
        %parallel_loop3A_431 = arith.constant 2 : i32
        %parallel_loop3A_432 = arith.constant 0 : i32
        %parallel_loop3A_433 = arith.constant 0 : i32
        %parallel_loop3A_434 = arith.constant 0 : i32
        %parallel_loop3A_435 = tpu.memref_slice %arg7[%parallel_loop3A_431, %parallel_loop3A_432, %parallel_loop3A_433, %parallel_loop3A_434] : memref<4x8x8x129xf32, #tpu.memory_space<vmem>> -> memref<1x8x8x129xf32, #tpu.memory_space<vmem>>
        %parallel_loop3A_436 = tpu.memref_squeeze %parallel_loop3A_435 : memref<1x8x8x129xf32, #tpu.memory_space<vmem>> -> memref<8x8x129xf32, #tpu.memory_space<vmem>>
        tpu.vector_store_idx %parallel_loop3A_436[%shift_right_arithmetic3A_65, %and3A_88, %parallel_loop3A_394], %parallel_loop3A_430 : memref<8x8x129xf32, #tpu.memory_space<vmem>>[vector<16xi32>, vector<16xi32>, vector<16xi32>], vector<16xf32>,
        %parallel_loop3A_437 = arith.constant 2 : i32
        %parallel_loop3A_438 = arith.index_cast %parallel_loop3A_437 : i32 to index
        %parallel_loop3A_439 = arith.index_cast %parallel_loop3A_390 : i32 to index
        %parallel_loop3A_440 = arith.constant 48 : index
        %parallel_loop3A_441 = tpu.vector_load %arg6[%parallel_loop3A_438, %parallel_loop3A_439, %parallel_loop3A_440] {strides = array<i32>} : memref<4x128x64xf32, #tpu.memory_space<vmem>>, vector<16xf32>,
        %parallel_loop3A_442 = arith.constant 8.000000e+00 : f32
        %parallel_loop3A_443 = vector.broadcast %parallel_loop3A_442 : f32 to vector<16xf32>
        %parallel_loop3A_444 = arith.mulf %parallel_loop3A_441, %parallel_loop3A_443 : vector<16xf32>
        %parallel_loop3A_445 = arith.constant 2 : i32
        %parallel_loop3A_446 = arith.constant 0 : i32
        %parallel_loop3A_447 = arith.constant 0 : i32
        %parallel_loop3A_448 = arith.constant 0 : i32
        %parallel_loop3A_449 = tpu.memref_slice %arg7[%parallel_loop3A_445, %parallel_loop3A_446, %parallel_loop3A_447, %parallel_loop3A_448] : memref<4x8x8x129xf32, #tpu.memory_space<vmem>> -> memref<1x8x8x129xf32, #tpu.memory_space<vmem>>
        %parallel_loop3A_450 = tpu.memref_squeeze %parallel_loop3A_449 : memref<1x8x8x129xf32, #tpu.memory_space<vmem>> -> memref<8x8x129xf32, #tpu.memory_space<vmem>>
        tpu.vector_store_idx %parallel_loop3A_450[%shift_right_arithmetic3A_71, %and3A_94, %parallel_loop3A_394], %parallel_loop3A_444 : memref<8x8x129xf32, #tpu.memory_space<vmem>>[vector<16xi32>, vector<16xi32>, vector<16xi32>], vector<16xf32>,
      } {sc.loop_unroll_factor = 4 : i64, sc.parallel_access}
      %dma_start3A_310 = arith.constant 2 : i32
      %dma_start3A_311 = arith.constant 0 : i32
      %dma_start3A_312 = arith.constant 0 : i32
      %dma_start3A_313 = arith.constant 0 : i32
      %dma_start3A_314 = tpu.memref_slice %arg7[%dma_start3A_310, %dma_start3A_311, %dma_start3A_312, %dma_start3A_313] : memref<4x8x8x129xf32, #tpu.memory_space<vmem>> -> memref<1x8x8x128xf32, #tpu.memory_space<vmem>>
      %dma_start3A_315 = tpu.memref_squeeze %dma_start3A_314 : memref<1x8x8x128xf32, #tpu.memory_space<vmem>> -> memref<8x8x128xf32, #tpu.memory_space<vmem>>
      %dma_start3A_316 = arith.constant 0 : i32
      %dma_start3A_317 = arith.constant 0 : i32
      %dma_start3A_318 = arith.constant 0 : i32
      %dma_start3A_319 = tpu.memref_slice %arg4[%add3A_289, %dma_start3A_316, %add3A, %dma_start3A_317, %dma_start3A_318] : memref<200x8x32x8x128xf32, #tpu.memory_space<hbm>> -> memref<1x8x1x8x128xf32, #tpu.memory_space<hbm>>
      %dma_start3A_320 = tpu.memref_squeeze %dma_start3A_319 : memref<1x8x1x8x128xf32, #tpu.memory_space<hbm>> -> memref<8x8x128xf32, #tpu.memory_space<hbm>>
      %dma_start3A_321 = arith.constant 0 : i32
      %dma_start3A_322 = arith.constant 0 : i32
      %dma_start3A_323 = arith.constant 0 : i32
      %dma_start3A_324 = tpu.memref_slice %arg4[%add3A_289, %dma_start3A_321, %add3A, %dma_start3A_322, %dma_start3A_323] : memref<200x8x32x8x128xf32, #tpu.memory_space<hbm>> -> memref<1x8x1x8x128xf32, #tpu.memory_space<hbm>>
      %dma_start3A_325 = tpu.memref_squeeze %dma_start3A_324 : memref<1x8x1x8x128xf32, #tpu.memory_space<hbm>> -> memref<8x8x128xf32, #tpu.memory_space<hbm>>
      %dma_start3A_326 = arith.constant 0 : i32
      %dma_start3A_327 = arith.constant 0 : i32
      %dma_start3A_328 = arith.constant 0 : i32
      %dma_start3A_329 = tpu.memref_slice %arg7[%dma_start3A_310, %dma_start3A_326, %dma_start3A_327, %dma_start3A_328] : memref<4x8x8x129xf32, #tpu.memory_space<vmem>> -> memref<1x8x8x128xf32, #tpu.memory_space<vmem>>
      %dma_start3A_330 = tpu.memref_squeeze %dma_start3A_329 : memref<1x8x8x128xf32, #tpu.memory_space<vmem>> -> memref<8x8x128xf32, #tpu.memory_space<vmem>>
      tpu.enqueue_dma source(%dma_start3A_330 : memref<8x8x128xf32, #tpu.memory_space<vmem>>) target(%dma_start3A_325 : memref<8x8x128xf32, #tpu.memory_space<hbm>>) target_semaphore(%arg14 : memref<!tpu.dma_semaphore, #tpu.memory_space<semaphore_mem>>)
      %add3A_331 = arith.constant 4 : i32
      %add3A_332 = arith.addi %add3A_289, %add3A_331 : i32
      %lt3A_333 = arith.constant 200 : i32
      %lt3A_334 = arith.cmpi slt, %add3A_332, %lt3A_333 : i32
      %convert_element_type3A_335 = arith.extui %lt3A_334 : i1 to i32
      %cond3A_336 = arith.constant 0 : i32
      %cond3A_337 = arith.cmpi ne, %convert_element_type3A_335, %cond3A_336 : i32
      scf.if %cond3A_337 {
        %add3A_390 = arith.constant 4 : i32
        %add3A_391 = arith.addi %add3A_289, %add3A_390 : i32
        %dma_start3A_392 = arith.constant 2 : i32
        %dma_start3A_393 = arith.constant 0 : i32
        %dma_start3A_394 = arith.constant 0 : i32
        %dma_start3A_395 = tpu.memref_slice %arg6[%dma_start3A_392, %dma_start3A_393, %dma_start3A_394] : memref<4x128x64xf32, #tpu.memory_space<vmem>> -> memref<1x128x64xf32, #tpu.memory_space<vmem>>
        %dma_start3A_396 = tpu.memref_squeeze %dma_start3A_395 : memref<1x128x64xf32, #tpu.memory_space<vmem>> -> memref<128x64xf32, #tpu.memory_space<vmem>>
        %dma_start3A_397 = arith.constant 0 : i32
        %dma_start3A_398 = tpu.memref_slice %arg5[%add3A_391, %dma_start3A_397] : memref<200x128xi32, #tpu.memory_space<vmem>> -> memref<1x128xi32, #tpu.memory_space<vmem>>
        %dma_start3A_399 = tpu.memref_squeeze %dma_start3A_398 : memref<1x128xi32, #tpu.memory_space<vmem>> -> memref<128xi32, #tpu.memory_space<vmem>>
        %dma_start3A_400 = arith.constant 0 : i32
        %dma_start3A_401 = arith.constant 0 : i32
        %dma_start3A_402 = tpu.memref_slice %arg3[%dma_start3A_400, %dma_start3A_401] : memref<1000000x64xf32, #tpu.memory_space<hbm>> -> memref<1000000x64xf32, #tpu.memory_space<hbm>>
        tpu.enqueue_indirect_dma source(%dma_start3A_402 : memref<1000000x64xf32, #tpu.memory_space<hbm>>) target(%dma_start3A_396 : memref<128x64xf32, #tpu.memory_space<vmem>>) offsets(%dma_start3A_399 : memref<128xi32, #tpu.memory_space<vmem>>) semaphore(%arg10 : memref<!tpu.dma_semaphore, #tpu.memory_space<semaphore_mem>>)
      } else {
      }
      %mul3A_338 = arith.constant 4 : i32
      %mul3A_339 = arith.muli %scan3A_186, %mul3A_338 : i32
      %add3A_340 = arith.constant 3 : i32
      %add3A_341 = arith.addi %mul3A_339, %add3A_340 : i32
      %dma_wait3A_342 = arith.constant 0 : i32
      %dma_wait3A_343 = arith.constant 3 : i32
      %dma_wait3A_344 = arith.constant 0 : i32
      %dma_wait3A_345 = arith.constant 0 : i32
      %dma_wait3A_346 = tpu.memref_slice %arg6[%dma_wait3A_343, %dma_wait3A_344, %dma_wait3A_345] : memref<4x128x64xf32, #tpu.memory_space<vmem>> -> memref<1x128x64xf32, #tpu.memory_space<vmem>>
      %dma_wait3A_347 = tpu.memref_squeeze %dma_wait3A_346 : memref<1x128x64xf32, #tpu.memory_space<vmem>> -> memref<128x64xf32, #tpu.memory_space<vmem>>
      %dma_wait3A_348 = arith.constant 0 : i32
      %dma_wait3A_349 = tpu.memref_slice %arg5[%dma_wait3A_342, %dma_wait3A_348] : memref<200x128xi32, #tpu.memory_space<vmem>> -> memref<1x128xi32, #tpu.memory_space<vmem>>
      %dma_wait3A_350 = tpu.memref_squeeze %dma_wait3A_349 : memref<1x128xi32, #tpu.memory_space<vmem>> -> memref<128xi32, #tpu.memory_space<vmem>>
      %dma_wait3A_351 = arith.constant 0 : i32
      %dma_wait3A_352 = arith.constant 0 : i32
      %dma_wait3A_353 = tpu.memref_slice %arg3[%dma_wait3A_351, %dma_wait3A_352] : memref<1000000x64xf32, #tpu.memory_space<hbm>> -> memref<1000000x64xf32, #tpu.memory_space<hbm>>
      tpu.wait_indirect_dma semaphore(%arg11 : memref<!tpu.dma_semaphore, #tpu.memory_space<semaphore_mem>>) src(%dma_wait3A_353 : memref<1000000x64xf32, #tpu.memory_space<hbm>>) dst(%dma_wait3A_347 : memref<128x64xf32, #tpu.memory_space<vmem>>)
      %ge3A_354 = arith.constant 4 : i32
      %ge3A_355 = arith.cmpi sge, %add3A_341, %ge3A_354 : i32
      %convert_element_type3A_356 = arith.extui %ge3A_355 : i1 to i32
      %cond3A_357 = arith.constant 0 : i32
      %cond3A_358 = arith.cmpi ne, %convert_element_type3A_356, %cond3A_357 : i32
      scf.if %cond3A_358 {
        %dma_wait3A_390 = arith.constant 3 : i32
        %dma_wait3A_391 = arith.constant 0 : i32
        %dma_wait3A_392 = arith.constant 0 : i32
        %dma_wait3A_393 = arith.constant 0 : i32
        %dma_wait3A_394 = arith.constant 0 : i32
        %dma_wait3A_395 = tpu.memref_slice %arg7[%dma_wait3A_390, %dma_wait3A_392, %dma_wait3A_393, %dma_wait3A_394] : memref<4x8x8x129xf32, #tpu.memory_space<vmem>> -> memref<1x8x8x128xf32, #tpu.memory_space<vmem>>
        %dma_wait3A_396 = tpu.memref_squeeze %dma_wait3A_395 : memref<1x8x8x128xf32, #tpu.memory_space<vmem>> -> memref<8x8x128xf32, #tpu.memory_space<vmem>>
        %dma_wait3A_397 = arith.constant 0 : i32
        %dma_wait3A_398 = arith.constant 0 : i32
        %dma_wait3A_399 = arith.constant 0 : i32
        %dma_wait3A_400 = tpu.memref_slice %arg4[%dma_wait3A_391, %dma_wait3A_397, %add3A, %dma_wait3A_398, %dma_wait3A_399] : memref<200x8x32x8x128xf32, #tpu.memory_space<hbm>> -> memref<1x8x1x8x128xf32, #tpu.memory_space<hbm>>
        %dma_wait3A_401 = tpu.memref_squeeze %dma_wait3A_400 : memref<1x8x1x8x128xf32, #tpu.memory_space<hbm>> -> memref<8x8x128xf32, #tpu.memory_space<hbm>>
        %dma_wait3A_402 = arith.constant 0 : i32
        %dma_wait3A_403 = arith.constant 0 : i32
        %dma_wait3A_404 = arith.constant 0 : i32
        %dma_wait3A_405 = tpu.memref_slice %arg4[%dma_wait3A_391, %dma_wait3A_402, %add3A, %dma_wait3A_403, %dma_wait3A_404] : memref<200x8x32x8x128xf32, #tpu.memory_space<hbm>> -> memref<1x8x1x8x128xf32, #tpu.memory_space<hbm>>
        %dma_wait3A_406 = tpu.memref_squeeze %dma_wait3A_405 : memref<1x8x1x8x128xf32, #tpu.memory_space<hbm>> -> memref<8x8x128xf32, #tpu.memory_space<hbm>>
        %dma_wait3A_407 = arith.constant 0 : i32
        %dma_wait3A_408 = arith.constant 0 : i32
        %dma_wait3A_409 = arith.constant 0 : i32
        %dma_wait3A_410 = tpu.memref_slice %arg7[%dma_wait3A_390, %dma_wait3A_407, %dma_wait3A_408, %dma_wait3A_409] : memref<4x8x8x129xf32, #tpu.memory_space<vmem>> -> memref<1x8x8x128xf32, #tpu.memory_space<vmem>>
        %dma_wait3A_411 = tpu.memref_squeeze %dma_wait3A_410 : memref<1x8x8x128xf32, #tpu.memory_space<vmem>> -> memref<8x8x128xf32, #tpu.memory_space<vmem>>
        tpu.wait_dma2 semaphore(%arg15 : memref<!tpu.dma_semaphore, #tpu.memory_space<semaphore_mem>>) src(%dma_wait3A_411 : memref<8x8x128xf32, #tpu.memory_space<vmem>>) dst(%dma_wait3A_406 : memref<8x8x128xf32, #tpu.memory_space<hbm>>)
      } else {
      }
      %parallel_loop3A_359 = arith.constant 0 : i32
      %parallel_loop3A_360 = arith.constant 128 : i32
      %parallel_loop3A_361 = arith.constant 1 : i32
      scf.for %parallel_loop3A_390 = %parallel_loop3A_359 to %parallel_loop3A_360 step %parallel_loop3A_361  : i32 {
        %parallel_loop3A_391 = arith.constant 0 : i32
        %parallel_loop3A_392 = vector.broadcast %parallel_loop3A_391 : i32 to vector<16xi32>
        %parallel_loop3A_393 = vector.broadcast %parallel_loop3A_390 : i32 to vector<16xi32>
        %parallel_loop3A_394 = arith.addi %parallel_loop3A_392, %parallel_loop3A_393 : vector<16xi32>
        %parallel_loop3A_395 = arith.constant 3 : i32
        %parallel_loop3A_396 = arith.index_cast %parallel_loop3A_395 : i32 to index
        %parallel_loop3A_397 = arith.index_cast %parallel_loop3A_390 : i32 to index
        %parallel_loop3A_398 = arith.constant 0 : index
        %parallel_loop3A_399 = tpu.vector_load %arg6[%parallel_loop3A_396, %parallel_loop3A_397, %parallel_loop3A_398] {strides = array<i32>} : memref<4x128x64xf32, #tpu.memory_space<vmem>>, vector<16xf32>,
        %parallel_loop3A_400 = arith.constant 8.000000e+00 : f32
        %parallel_loop3A_401 = vector.broadcast %parallel_loop3A_400 : f32 to vector<16xf32>
        %parallel_loop3A_402 = arith.mulf %parallel_loop3A_399, %parallel_loop3A_401 : vector<16xf32>
        %parallel_loop3A_403 = arith.constant 3 : i32
        %parallel_loop3A_404 = arith.constant 0 : i32
        %parallel_loop3A_405 = arith.constant 0 : i32
        %parallel_loop3A_406 = arith.constant 0 : i32
        %parallel_loop3A_407 = tpu.memref_slice %arg7[%parallel_loop3A_403, %parallel_loop3A_404, %parallel_loop3A_405, %parallel_loop3A_406] : memref<4x8x8x129xf32, #tpu.memory_space<vmem>> -> memref<1x8x8x129xf32, #tpu.memory_space<vmem>>
        %parallel_loop3A_408 = tpu.memref_squeeze %parallel_loop3A_407 : memref<1x8x8x129xf32, #tpu.memory_space<vmem>> -> memref<8x8x129xf32, #tpu.memory_space<vmem>>
        tpu.vector_store_idx %parallel_loop3A_408[%shift_right_arithmetic3A_53, %and3A_76, %parallel_loop3A_394], %parallel_loop3A_402 : memref<8x8x129xf32, #tpu.memory_space<vmem>>[vector<16xi32>, vector<16xi32>, vector<16xi32>], vector<16xf32>,
        %parallel_loop3A_409 = arith.constant 3 : i32
        %parallel_loop3A_410 = arith.index_cast %parallel_loop3A_409 : i32 to index
        %parallel_loop3A_411 = arith.index_cast %parallel_loop3A_390 : i32 to index
        %parallel_loop3A_412 = arith.constant 16 : index
        %parallel_loop3A_413 = tpu.vector_load %arg6[%parallel_loop3A_410, %parallel_loop3A_411, %parallel_loop3A_412] {strides = array<i32>} : memref<4x128x64xf32, #tpu.memory_space<vmem>>, vector<16xf32>,
        %parallel_loop3A_414 = arith.constant 8.000000e+00 : f32
        %parallel_loop3A_415 = vector.broadcast %parallel_loop3A_414 : f32 to vector<16xf32>
        %parallel_loop3A_416 = arith.mulf %parallel_loop3A_413, %parallel_loop3A_415 : vector<16xf32>
        %parallel_loop3A_417 = arith.constant 3 : i32
        %parallel_loop3A_418 = arith.constant 0 : i32
        %parallel_loop3A_419 = arith.constant 0 : i32
        %parallel_loop3A_420 = arith.constant 0 : i32
        %parallel_loop3A_421 = tpu.memref_slice %arg7[%parallel_loop3A_417, %parallel_loop3A_418, %parallel_loop3A_419, %parallel_loop3A_420] : memref<4x8x8x129xf32, #tpu.memory_space<vmem>> -> memref<1x8x8x129xf32, #tpu.memory_space<vmem>>
        %parallel_loop3A_422 = tpu.memref_squeeze %parallel_loop3A_421 : memref<1x8x8x129xf32, #tpu.memory_space<vmem>> -> memref<8x8x129xf32, #tpu.memory_space<vmem>>
        tpu.vector_store_idx %parallel_loop3A_422[%shift_right_arithmetic3A_59, %and3A_82, %parallel_loop3A_394], %parallel_loop3A_416 : memref<8x8x129xf32, #tpu.memory_space<vmem>>[vector<16xi32>, vector<16xi32>, vector<16xi32>], vector<16xf32>,
        %parallel_loop3A_423 = arith.constant 3 : i32
        %parallel_loop3A_424 = arith.index_cast %parallel_loop3A_423 : i32 to index
        %parallel_loop3A_425 = arith.index_cast %parallel_loop3A_390 : i32 to index
        %parallel_loop3A_426 = arith.constant 32 : index
        %parallel_loop3A_427 = tpu.vector_load %arg6[%parallel_loop3A_424, %parallel_loop3A_425, %parallel_loop3A_426] {strides = array<i32>} : memref<4x128x64xf32, #tpu.memory_space<vmem>>, vector<16xf32>,
        %parallel_loop3A_428 = arith.constant 8.000000e+00 : f32
        %parallel_loop3A_429 = vector.broadcast %parallel_loop3A_428 : f32 to vector<16xf32>
        %parallel_loop3A_430 = arith.mulf %parallel_loop3A_427, %parallel_loop3A_429 : vector<16xf32>
        %parallel_loop3A_431 = arith.constant 3 : i32
        %parallel_loop3A_432 = arith.constant 0 : i32
        %parallel_loop3A_433 = arith.constant 0 : i32
        %parallel_loop3A_434 = arith.constant 0 : i32
        %parallel_loop3A_435 = tpu.memref_slice %arg7[%parallel_loop3A_431, %parallel_loop3A_432, %parallel_loop3A_433, %parallel_loop3A_434] : memref<4x8x8x129xf32, #tpu.memory_space<vmem>> -> memref<1x8x8x129xf32, #tpu.memory_space<vmem>>
        %parallel_loop3A_436 = tpu.memref_squeeze %parallel_loop3A_435 : memref<1x8x8x129xf32, #tpu.memory_space<vmem>> -> memref<8x8x129xf32, #tpu.memory_space<vmem>>
        tpu.vector_store_idx %parallel_loop3A_436[%shift_right_arithmetic3A_65, %and3A_88, %parallel_loop3A_394], %parallel_loop3A_430 : memref<8x8x129xf32, #tpu.memory_space<vmem>>[vector<16xi32>, vector<16xi32>, vector<16xi32>], vector<16xf32>,
        %parallel_loop3A_437 = arith.constant 3 : i32
        %parallel_loop3A_438 = arith.index_cast %parallel_loop3A_437 : i32 to index
        %parallel_loop3A_439 = arith.index_cast %parallel_loop3A_390 : i32 to index
        %parallel_loop3A_440 = arith.constant 48 : index
        %parallel_loop3A_441 = tpu.vector_load %arg6[%parallel_loop3A_438, %parallel_loop3A_439, %parallel_loop3A_440] {strides = array<i32>} : memref<4x128x64xf32, #tpu.memory_space<vmem>>, vector<16xf32>,
        %parallel_loop3A_442 = arith.constant 8.000000e+00 : f32
        %parallel_loop3A_443 = vector.broadcast %parallel_loop3A_442 : f32 to vector<16xf32>
        %parallel_loop3A_444 = arith.mulf %parallel_loop3A_441, %parallel_loop3A_443 : vector<16xf32>
        %parallel_loop3A_445 = arith.constant 3 : i32
        %parallel_loop3A_446 = arith.constant 0 : i32
        %parallel_loop3A_447 = arith.constant 0 : i32
        %parallel_loop3A_448 = arith.constant 0 : i32
        %parallel_loop3A_449 = tpu.memref_slice %arg7[%parallel_loop3A_445, %parallel_loop3A_446, %parallel_loop3A_447, %parallel_loop3A_448] : memref<4x8x8x129xf32, #tpu.memory_space<vmem>> -> memref<1x8x8x129xf32, #tpu.memory_space<vmem>>
        %parallel_loop3A_450 = tpu.memref_squeeze %parallel_loop3A_449 : memref<1x8x8x129xf32, #tpu.memory_space<vmem>> -> memref<8x8x129xf32, #tpu.memory_space<vmem>>
        tpu.vector_store_idx %parallel_loop3A_450[%shift_right_arithmetic3A_71, %and3A_94, %parallel_loop3A_394], %parallel_loop3A_444 : memref<8x8x129xf32, #tpu.memory_space<vmem>>[vector<16xi32>, vector<16xi32>, vector<16xi32>], vector<16xf32>,
      } {sc.loop_unroll_factor = 4 : i64, sc.parallel_access}
      %dma_start3A_362 = arith.constant 3 : i32
      %dma_start3A_363 = arith.constant 0 : i32
      %dma_start3A_364 = arith.constant 0 : i32
      %dma_start3A_365 = arith.constant 0 : i32
      %dma_start3A_366 = tpu.memref_slice %arg7[%dma_start3A_362, %dma_start3A_363, %dma_start3A_364, %dma_start3A_365] : memref<4x8x8x129xf32, #tpu.memory_space<vmem>> -> memref<1x8x8x128xf32, #tpu.memory_space<vmem>>
      %dma_start3A_367 = tpu.memref_squeeze %dma_start3A_366 : memref<1x8x8x128xf32, #tpu.memory_space<vmem>> -> memref<8x8x128xf32, #tpu.memory_space<vmem>>
      %dma_start3A_368 = arith.constant 0 : i32
      %dma_start3A_369 = arith.constant 0 : i32
      %dma_start3A_370 = arith.constant 0 : i32
      %dma_start3A_371 = tpu.memref_slice %arg4[%add3A_341, %dma_start3A_368, %add3A, %dma_start3A_369, %dma_start3A_370] : memref<200x8x32x8x128xf32, #tpu.memory_space<hbm>> -> memref<1x8x1x8x128xf32, #tpu.memory_space<hbm>>
      %dma_start3A_372 = tpu.memref_squeeze %dma_start3A_371 : memref<1x8x1x8x128xf32, #tpu.memory_space<hbm>> -> memref<8x8x128xf32, #tpu.memory_space<hbm>>
      %dma_start3A_373 = arith.constant 0 : i32
      %dma_start3A_374 = arith.constant 0 : i32
      %dma_start3A_375 = arith.constant 0 : i32
      %dma_start3A_376 = tpu.memref_slice %arg4[%add3A_341, %dma_start3A_373, %add3A, %dma_start3A_374, %dma_start3A_375] : memref<200x8x32x8x128xf32, #tpu.memory_space<hbm>> -> memref<1x8x1x8x128xf32, #tpu.memory_space<hbm>>
      %dma_start3A_377 = tpu.memref_squeeze %dma_start3A_376 : memref<1x8x1x8x128xf32, #tpu.memory_space<hbm>> -> memref<8x8x128xf32, #tpu.memory_space<hbm>>
      %dma_start3A_378 = arith.constant 0 : i32
      %dma_start3A_379 = arith.constant 0 : i32
      %dma_start3A_380 = arith.constant 0 : i32
      %dma_start3A_381 = tpu.memref_slice %arg7[%dma_start3A_362, %dma_start3A_378, %dma_start3A_379, %dma_start3A_380] : memref<4x8x8x129xf32, #tpu.memory_space<vmem>> -> memref<1x8x8x128xf32, #tpu.memory_space<vmem>>
      %dma_start3A_382 = tpu.memref_squeeze %dma_start3A_381 : memref<1x8x8x128xf32, #tpu.memory_space<vmem>> -> memref<8x8x128xf32, #tpu.memory_space<vmem>>
      tpu.enqueue_dma source(%dma_start3A_382 : memref<8x8x128xf32, #tpu.memory_space<vmem>>) target(%dma_start3A_377 : memref<8x8x128xf32, #tpu.memory_space<hbm>>) target_semaphore(%arg15 : memref<!tpu.dma_semaphore, #tpu.memory_space<semaphore_mem>>)
      %add3A_383 = arith.constant 4 : i32
      %add3A_384 = arith.addi %add3A_341, %add3A_383 : i32
      %lt3A_385 = arith.constant 200 : i32
      %lt3A_386 = arith.cmpi slt, %add3A_384, %lt3A_385 : i32
      %convert_element_type3A_387 = arith.extui %lt3A_386 : i1 to i32
      %cond3A_388 = arith.constant 0 : i32
      %cond3A_389 = arith.cmpi ne, %convert_element_type3A_387, %cond3A_388 : i32
      scf.if %cond3A_389 {
        %add3A_390 = arith.constant 4 : i32
        %add3A_391 = arith.addi %add3A_341, %add3A_390 : i32
        %dma_start3A_392 = arith.constant 3 : i32
        %dma_start3A_393 = arith.constant 0 : i32
        %dma_start3A_394 = arith.constant 0 : i32
        %dma_start3A_395 = tpu.memref_slice %arg6[%dma_start3A_392, %dma_start3A_393, %dma_start3A_394] : memref<4x128x64xf32, #tpu.memory_space<vmem>> -> memref<1x128x64xf32, #tpu.memory_space<vmem>>
        %dma_start3A_396 = tpu.memref_squeeze %dma_start3A_395 : memref<1x128x64xf32, #tpu.memory_space<vmem>> -> memref<128x64xf32, #tpu.memory_space<vmem>>
        %dma_start3A_397 = arith.constant 0 : i32
        %dma_start3A_398 = tpu.memref_slice %arg5[%add3A_391, %dma_start3A_397] : memref<200x128xi32, #tpu.memory_space<vmem>> -> memref<1x128xi32, #tpu.memory_space<vmem>>
        %dma_start3A_399 = tpu.memref_squeeze %dma_start3A_398 : memref<1x128xi32, #tpu.memory_space<vmem>> -> memref<128xi32, #tpu.memory_space<vmem>>
        %dma_start3A_400 = arith.constant 0 : i32
        %dma_start3A_401 = arith.constant 0 : i32
        %dma_start3A_402 = tpu.memref_slice %arg3[%dma_start3A_400, %dma_start3A_401] : memref<1000000x64xf32, #tpu.memory_space<hbm>> -> memref<1000000x64xf32, #tpu.memory_space<hbm>>
        tpu.enqueue_indirect_dma source(%dma_start3A_402 : memref<1000000x64xf32, #tpu.memory_space<hbm>>) target(%dma_start3A_396 : memref<128x64xf32, #tpu.memory_space<vmem>>) offsets(%dma_start3A_399 : memref<128xi32, #tpu.memory_space<vmem>>) semaphore(%arg11 : memref<!tpu.dma_semaphore, #tpu.memory_space<semaphore_mem>>)
      } else {
      }
    }
    %scan3A_98 = arith.constant 50 : i32
    %dma_wait3A = arith.constant 0 : i32
    %dma_wait3A_99 = arith.constant 0 : i32
    %dma_wait3A_100 = arith.constant 0 : i32
    %dma_wait3A_101 = arith.constant 0 : i32
    %dma_wait3A_102 = arith.constant 0 : i32
    %dma_wait3A_103 = tpu.memref_slice %arg7[%dma_wait3A, %dma_wait3A_100, %dma_wait3A_101, %dma_wait3A_102] : memref<4x8x8x129xf32, #tpu.memory_space<vmem>> -> memref<1x8x8x128xf32, #tpu.memory_space<vmem>>
    %dma_wait3A_104 = tpu.memref_squeeze %dma_wait3A_103 : memref<1x8x8x128xf32, #tpu.memory_space<vmem>> -> memref<8x8x128xf32, #tpu.memory_space<vmem>>
    %dma_wait3A_105 = arith.constant 0 : i32
    %dma_wait3A_106 = arith.constant 0 : i32
    %dma_wait3A_107 = arith.constant 0 : i32
    %dma_wait3A_108 = tpu.memref_slice %arg4[%dma_wait3A_99, %dma_wait3A_105, %add3A, %dma_wait3A_106, %dma_wait3A_107] : memref<200x8x32x8x128xf32, #tpu.memory_space<hbm>> -> memref<1x8x1x8x128xf32, #tpu.memory_space<hbm>>
    %dma_wait3A_109 = tpu.memref_squeeze %dma_wait3A_108 : memref<1x8x1x8x128xf32, #tpu.memory_space<hbm>> -> memref<8x8x128xf32, #tpu.memory_space<hbm>>
    %dma_wait3A_110 = arith.constant 0 : i32
    %dma_wait3A_111 = arith.constant 0 : i32
    %dma_wait3A_112 = arith.constant 0 : i32
    %dma_wait3A_113 = tpu.memref_slice %arg4[%dma_wait3A_99, %dma_wait3A_110, %add3A, %dma_wait3A_111, %dma_wait3A_112] : memref<200x8x32x8x128xf32, #tpu.memory_space<hbm>> -> memref<1x8x1x8x128xf32, #tpu.memory_space<hbm>>
    %dma_wait3A_114 = tpu.memref_squeeze %dma_wait3A_113 : memref<1x8x1x8x128xf32, #tpu.memory_space<hbm>> -> memref<8x8x128xf32, #tpu.memory_space<hbm>>
    %dma_wait3A_115 = arith.constant 0 : i32
    %dma_wait3A_116 = arith.constant 0 : i32
    %dma_wait3A_117 = arith.constant 0 : i32
    %dma_wait3A_118 = tpu.memref_slice %arg7[%dma_wait3A, %dma_wait3A_115, %dma_wait3A_116, %dma_wait3A_117] : memref<4x8x8x129xf32, #tpu.memory_space<vmem>> -> memref<1x8x8x128xf32, #tpu.memory_space<vmem>>
    %dma_wait3A_119 = tpu.memref_squeeze %dma_wait3A_118 : memref<1x8x8x128xf32, #tpu.memory_space<vmem>> -> memref<8x8x128xf32, #tpu.memory_space<vmem>>
    tpu.wait_dma2 semaphore(%arg12 : memref<!tpu.dma_semaphore, #tpu.memory_space<semaphore_mem>>) src(%dma_wait3A_119 : memref<8x8x128xf32, #tpu.memory_space<vmem>>) dst(%dma_wait3A_114 : memref<8x8x128xf32, #tpu.memory_space<hbm>>)
    %dma_wait3A_120 = arith.constant 1 : i32
    %dma_wait3A_121 = arith.constant 0 : i32
    %dma_wait3A_122 = arith.constant 0 : i32
    %dma_wait3A_123 = arith.constant 0 : i32
    %dma_wait3A_124 = arith.constant 0 : i32
    %dma_wait3A_125 = tpu.memref_slice %arg7[%dma_wait3A_120, %dma_wait3A_122, %dma_wait3A_123, %dma_wait3A_124] : memref<4x8x8x129xf32, #tpu.memory_space<vmem>> -> memref<1x8x8x128xf32, #tpu.memory_space<vmem>>
    %dma_wait3A_126 = tpu.memref_squeeze %dma_wait3A_125 : memref<1x8x8x128xf32, #tpu.memory_space<vmem>> -> memref<8x8x128xf32, #tpu.memory_space<vmem>>
    %dma_wait3A_127 = arith.constant 0 : i32
    %dma_wait3A_128 = arith.constant 0 : i32
    %dma_wait3A_129 = arith.constant 0 : i32
    %dma_wait3A_130 = tpu.memref_slice %arg4[%dma_wait3A_121, %dma_wait3A_127, %add3A, %dma_wait3A_128, %dma_wait3A_129] : memref<200x8x32x8x128xf32, #tpu.memory_space<hbm>> -> memref<1x8x1x8x128xf32, #tpu.memory_space<hbm>>
    %dma_wait3A_131 = tpu.memref_squeeze %dma_wait3A_130 : memref<1x8x1x8x128xf32, #tpu.memory_space<hbm>> -> memref<8x8x128xf32, #tpu.memory_space<hbm>>
    %dma_wait3A_132 = arith.constant 0 : i32
    %dma_wait3A_133 = arith.constant 0 : i32
    %dma_wait3A_134 = arith.constant 0 : i32
    %dma_wait3A_135 = tpu.memref_slice %arg4[%dma_wait3A_121, %dma_wait3A_132, %add3A, %dma_wait3A_133, %dma_wait3A_134] : memref<200x8x32x8x128xf32, #tpu.memory_space<hbm>> -> memref<1x8x1x8x128xf32, #tpu.memory_space<hbm>>
    %dma_wait3A_136 = tpu.memref_squeeze %dma_wait3A_135 : memref<1x8x1x8x128xf32, #tpu.memory_space<hbm>> -> memref<8x8x128xf32, #tpu.memory_space<hbm>>
    %dma_wait3A_137 = arith.constant 0 : i32
    %dma_wait3A_138 = arith.constant 0 : i32
    %dma_wait3A_139 = arith.constant 0 : i32
    %dma_wait3A_140 = tpu.memref_slice %arg7[%dma_wait3A_120, %dma_wait3A_137, %dma_wait3A_138, %dma_wait3A_139] : memref<4x8x8x129xf32, #tpu.memory_space<vmem>> -> memref<1x8x8x128xf32, #tpu.memory_space<vmem>>
    %dma_wait3A_141 = tpu.memref_squeeze %dma_wait3A_140 : memref<1x8x8x128xf32, #tpu.memory_space<vmem>> -> memref<8x8x128xf32, #tpu.memory_space<vmem>>
    tpu.wait_dma2 semaphore(%arg13 : memref<!tpu.dma_semaphore, #tpu.memory_space<semaphore_mem>>) src(%dma_wait3A_141 : memref<8x8x128xf32, #tpu.memory_space<vmem>>) dst(%dma_wait3A_136 : memref<8x8x128xf32, #tpu.memory_space<hbm>>)
    %dma_wait3A_142 = arith.constant 2 : i32
    %dma_wait3A_143 = arith.constant 0 : i32
    %dma_wait3A_144 = arith.constant 0 : i32
    %dma_wait3A_145 = arith.constant 0 : i32
    %dma_wait3A_146 = arith.constant 0 : i32
    %dma_wait3A_147 = tpu.memref_slice %arg7[%dma_wait3A_142, %dma_wait3A_144, %dma_wait3A_145, %dma_wait3A_146] : memref<4x8x8x129xf32, #tpu.memory_space<vmem>> -> memref<1x8x8x128xf32, #tpu.memory_space<vmem>>
    %dma_wait3A_148 = tpu.memref_squeeze %dma_wait3A_147 : memref<1x8x8x128xf32, #tpu.memory_space<vmem>> -> memref<8x8x128xf32, #tpu.memory_space<vmem>>
    %dma_wait3A_149 = arith.constant 0 : i32
    %dma_wait3A_150 = arith.constant 0 : i32
    %dma_wait3A_151 = arith.constant 0 : i32
    %dma_wait3A_152 = tpu.memref_slice %arg4[%dma_wait3A_143, %dma_wait3A_149, %add3A, %dma_wait3A_150, %dma_wait3A_151] : memref<200x8x32x8x128xf32, #tpu.memory_space<hbm>> -> memref<1x8x1x8x128xf32, #tpu.memory_space<hbm>>
    %dma_wait3A_153 = tpu.memref_squeeze %dma_wait3A_152 : memref<1x8x1x8x128xf32, #tpu.memory_space<hbm>> -> memref<8x8x128xf32, #tpu.memory_space<hbm>>
    %dma_wait3A_154 = arith.constant 0 : i32
    %dma_wait3A_155 = arith.constant 0 : i32
    %dma_wait3A_156 = arith.constant 0 : i32
    %dma_wait3A_157 = tpu.memref_slice %arg4[%dma_wait3A_143, %dma_wait3A_154, %add3A, %dma_wait3A_155, %dma_wait3A_156] : memref<200x8x32x8x128xf32, #tpu.memory_space<hbm>> -> memref<1x8x1x8x128xf32, #tpu.memory_space<hbm>>
    %dma_wait3A_158 = tpu.memref_squeeze %dma_wait3A_157 : memref<1x8x1x8x128xf32, #tpu.memory_space<hbm>> -> memref<8x8x128xf32, #tpu.memory_space<hbm>>
    %dma_wait3A_159 = arith.constant 0 : i32
    %dma_wait3A_160 = arith.constant 0 : i32
    %dma_wait3A_161 = arith.constant 0 : i32
    %dma_wait3A_162 = tpu.memref_slice %arg7[%dma_wait3A_142, %dma_wait3A_159, %dma_wait3A_160, %dma_wait3A_161] : memref<4x8x8x129xf32, #tpu.memory_space<vmem>> -> memref<1x8x8x128xf32, #tpu.memory_space<vmem>>
    %dma_wait3A_163 = tpu.memref_squeeze %dma_wait3A_162 : memref<1x8x8x128xf32, #tpu.memory_space<vmem>> -> memref<8x8x128xf32, #tpu.memory_space<vmem>>
    tpu.wait_dma2 semaphore(%arg14 : memref<!tpu.dma_semaphore, #tpu.memory_space<semaphore_mem>>) src(%dma_wait3A_163 : memref<8x8x128xf32, #tpu.memory_space<vmem>>) dst(%dma_wait3A_158 : memref<8x8x128xf32, #tpu.memory_space<hbm>>)
    %dma_wait3A_164 = arith.constant 3 : i32
    %dma_wait3A_165 = arith.constant 0 : i32
    %dma_wait3A_166 = arith.constant 0 : i32
    %dma_wait3A_167 = arith.constant 0 : i32
    %dma_wait3A_168 = arith.constant 0 : i32
    %dma_wait3A_169 = tpu.memref_slice %arg7[%dma_wait3A_164, %dma_wait3A_166, %dma_wait3A_167, %dma_wait3A_168] : memref<4x8x8x129xf32, #tpu.memory_space<vmem>> -> memref<1x8x8x128xf32, #tpu.memory_space<vmem>>
    %dma_wait3A_170 = tpu.memref_squeeze %dma_wait3A_169 : memref<1x8x8x128xf32, #tpu.memory_space<vmem>> -> memref<8x8x128xf32, #tpu.memory_space<vmem>>
    %dma_wait3A_171 = arith.constant 0 : i32
    %dma_wait3A_172 = arith.constant 0 : i32
    %dma_wait3A_173 = arith.constant 0 : i32
    %dma_wait3A_174 = tpu.memref_slice %arg4[%dma_wait3A_165, %dma_wait3A_171, %add3A, %dma_wait3A_172, %dma_wait3A_173] : memref<200x8x32x8x128xf32, #tpu.memory_space<hbm>> -> memref<1x8x1x8x128xf32, #tpu.memory_space<hbm>>
    %dma_wait3A_175 = tpu.memref_squeeze %dma_wait3A_174 : memref<1x8x1x8x128xf32, #tpu.memory_space<hbm>> -> memref<8x8x128xf32, #tpu.memory_space<hbm>>
    %dma_wait3A_176 = arith.constant 0 : i32
    %dma_wait3A_177 = arith.constant 0 : i32
    %dma_wait3A_178 = arith.constant 0 : i32
    %dma_wait3A_179 = tpu.memref_slice %arg4[%dma_wait3A_165, %dma_wait3A_176, %add3A, %dma_wait3A_177, %dma_wait3A_178] : memref<200x8x32x8x128xf32, #tpu.memory_space<hbm>> -> memref<1x8x1x8x128xf32, #tpu.memory_space<hbm>>
    %dma_wait3A_180 = tpu.memref_squeeze %dma_wait3A_179 : memref<1x8x1x8x128xf32, #tpu.memory_space<hbm>> -> memref<8x8x128xf32, #tpu.memory_space<hbm>>
    %dma_wait3A_181 = arith.constant 0 : i32
    %dma_wait3A_182 = arith.constant 0 : i32
    %dma_wait3A_183 = arith.constant 0 : i32
    %dma_wait3A_184 = tpu.memref_slice %arg7[%dma_wait3A_164, %dma_wait3A_181, %dma_wait3A_182, %dma_wait3A_183] : memref<4x8x8x129xf32, #tpu.memory_space<vmem>> -> memref<1x8x8x128xf32, #tpu.memory_space<vmem>>
    %dma_wait3A_185 = tpu.memref_squeeze %dma_wait3A_184 : memref<1x8x8x128xf32, #tpu.memory_space<vmem>> -> memref<8x8x128xf32, #tpu.memory_space<vmem>>
    tpu.wait_dma2 semaphore(%arg15 : memref<!tpu.dma_semaphore, #tpu.memory_space<semaphore_mem>>) src(%dma_wait3A_185 : memref<8x8x128xf32, #tpu.memory_space<vmem>>) dst(%dma_wait3A_180 : memref<8x8x128xf32, #tpu.memory_space<hbm>>)
    return
  }
}

</mosaic_0001>

<sc_bundles>
// kernel: kernel.3.cloned.1.call-start
scs
__scs_entry_jumppad:
0x0: {  	(pc) =	sbr.rel $0x88, $3  }
0x1: {  	(tag) =	ssettag $0x0;
	lr =	simm.s32 $0x1  }
0x2: {  	[smem:$0x3F9F] =	sst lr;
	_ =	strace $0xD0000000  }
0x3: {  	_ = 	snop  }
0x4: {  	_ = 	snop  }
0x5: {  	_ = 	snop  }
0x6: {  	_ = 	snop  }
0x7: {  	_ = 	snop  }
__scs_overlays_trampoline_lowered:
0x8: {  	[smem:$0x3FAE] =	sst s0  }
0x9: {  	[smem:$0x3FAF] =	sst s1  }
0xa: {  	[smem:$0x3FB0] =	sst s2  }
0xb: {  	[smem:$0x3FB1] =	sst s3  }
0xc: {  	[smem:$0x3FB2] =	sst s4  }
0xd: {  	[smem:$0x3FB3] =	sst s5  }
0xe: {  	[smem:$0x3FB4] =	sst s6  }
0xf: {  	[smem:$0x3FB5] =	sst s7  }
0x10: {  	[smem:$0x3FB6] =	sst s8  }
0x11: {  	[smem:$0x3FB7] =	sst s9;
	s0 =	simm.s32 @!p0 $0x0  }
0x12: {  	s1 =	sld [smem:$0x3F9D];
	s0 =	simm.s32 @p0 $0x1  }
0x13: {  	[smem:$0x3FB8] =	sst s0;
	s0 =	simm.s32 @!p1 $0x0  }
0x14: {  	s2 =	sld [smem:$0x3F9C];
	s0 =	simm.s32 @p1 $0x1  }
0x15: {  	[smem:$0x3FB9] =	sst s0;
	s0 =	simm.s32 @!p2 $0x0  }
0x16: {  	s3 =	sld [smem:$0x3FDB];
	s0 =	simm.s32 @p2 $0x1  }
0x17: {  	s4 =	simm.s32 $0x1BF5;
	[smem:$0x3FBB] =	sst s0  }
0x18: {  	s0 =	sld [smem:$0x3F9E];
	_ =	swait.ge [sflag:s4], $0x0  }
0x19: {  	s7 =	sld [smem:$0x3F9F]  }
0x1a: {  	s8 =	sadd.s32 $0xFFFFE003, lr  }
0x1b: {  	s9 =	sadd.s32 $0xFFFFFEF7, lr;
	s5 =	simm.s32 $0xFFFFFFFF;
	p2 =	slt.u32 s8, $0xFFFFF086  }
0x1c: {  	p1 =	slt.u32 s9, $0xF7A;
	s5 =	simm.s32 @!p2 $0x0  }
0x1d: {  	s5 =	simm.s32 @p1 $0x1;
	p0 =	seq.s32 s7, s2  }
0x1e: {  	s7 =	smul.u32 @!p0 $0xF7A, s2;
	p2 =	seq.s32 @!p0 s5, $0x0  }
0x1f: {  	s9 =	smul.u32 $0xF7A, s1;
	s8 =	simm.s32 @!p0 $0x1BF5;
	p2 =	por !p2, p0  }
0x20: {  	[sflag:s8] =	ssyncset.s32 @!p0 $0xFFFFF086;
	s6 =	sadd.s32 @!p0 s3, s7;
	s7 =	simm.s32 @!p0 $0x108  }
0x21: {  	s3 =	sadd.s32 s3, s9;
	s6 =	sadd.s32 @!p0 $0x88, s6;
	s7 =	simm.s32 @p2 $0x1082  }
0x22: {  	[simem:s7], [sflag:s8] =	dma.local @!p0 [hbm:s6], $0xF7A  }
0x23: {  	s9 =	sor.u32 $0xD0000000, s2;
	s6 =	simm.s32 $0x108;
	_ =	swait.ge @!p0 [sflag:s8], $0x0  }
0x24: {  	s3 =	sadd.s32 $0x88, s3;
	s6 =	simm.s32 @!p1 $0x1082;
	[sflag:s4] =	ssyncset.s32 $0xFFFFF086  }
0x25: {  	[simem:s6], [sflag:s4] =	dma.local [hbm:s3], $0xF7A  }
0x26: {  	[smem:$0x3F9F] =	sst s1;
	(tag) =	ssettag s2;
	_ =	strace s9  }
0x27: {  	s1 =	sld [smem:$0x3FAF]  }
0x28: {  	s2 =	sld [smem:$0x3FB0]  }
0x29: {  	s4 =	sld [smem:$0x3FB2]  }
0x2a: {  	p0 =	seq.s32 s5, $0x0;
	s5 =	sld [smem:$0x3FB3]  }
0x2b: {  	s6 =	sld [smem:$0x3FB4]  }
0x2c: {  	s7 =	sld [smem:$0x3FB5]  }
0x2d: {  	s3 =	simm.s32 $0x108;
	s8 =	sld [smem:$0x3FB6]  }
0x2e: {  	s3 =	simm.s32 @!p0 $0x1082;
	s9 =	sld [smem:$0x3FB7]  }
0x2f: {  	lr =	sadd.s32 s0, s3;
	s0 =	sld [smem:$0x3FAE]  }
0x30: {  	s3 =	sld [smem:$0x3FB1]  }
0x31: {  	[smem:$0x3FBA] =	sst s10  }
0x32: {  	s10 =	sld [smem:$0x3FB8];
	_ =	sdelay $0x3  }
0x33: {  	p0 =	seq.s32 s10, $0x1;
	s10 =	sld [smem:$0x3FBA];
	_ =	sdelay $0x3  }
0x34: {  	[smem:$0x3FBA] =	sst s10  }
0x35: {  	s10 =	sld [smem:$0x3FB9];
	_ =	sdelay $0x3  }
0x36: {  	p1 =	seq.s32 s10, $0x1;
	s10 =	sld [smem:$0x3FBA];
	_ =	sdelay $0x3  }
0x37: {  	[smem:$0x3FBA] =	sst s10  }
0x38: {  	s10 =	sld [smem:$0x3FBB]  }
0x39: {  	_ = 	snop;
	(pc) =	sbr.ind lr, $3  }
0x3a: {  	_ = 	snop  }
0x3b: {  	_ = 	snop  }
0x3c: {  	p2 =	seq.s32 s10, $0x1;
	s10 =	sld [smem:$0x3FBA]  }
0x3d: {  	_ =	shalt  }
0x3e: {  	_ =	shalt  }
0x3f: {  	_ =	shalt  }
0x40: {  	_ =	shalt  }
0x41: {  	_ =	shalt  }
0x42: {  	_ =	shalt  }
0x43: {  	_ =	shalt  }
0x44: {  	_ =	shalt  }
0x45: {  	_ =	shalt  }
0x46: {  	_ =	shalt  }
0x47: {  	_ =	shalt  }
0x48: {  	_ =	shalt  }
0x49: {  	_ =	shalt  }
0x4a: {  	_ =	shalt  }
0x4b: {  	_ =	shalt  }
0x4c: {  	_ =	shalt  }
0x4d: {  	_ =	shalt  }
0x4e: {  	_ =	shalt  }
0x4f: {  	_ =	shalt  }
0x50: {  	_ =	shalt  }
0x51: {  	_ =	shalt  }
0x52: {  	_ =	shalt  }
0x53: {  	_ =	shalt  }
0x54: {  	_ =	shalt  }
0x55: {  	_ =	shalt  }
0x56: {  	_ =	shalt  }
0x57: {  	_ =	shalt  }
0x58: {  	_ =	shalt  }
0x59: {  	_ =	shalt  }
0x5a: {  	_ =	shalt  }
0x5b: {  	_ =	shalt  }
0x5c: {  	_ =	shalt  }
0x5d: {  	_ =	shalt  }
0x5e: {  	_ =	shalt  }
0x5f: {  	_ =	shalt  }
0x60: {  	_ =	shalt  }
0x61: {  	_ =	shalt  }
0x62: {  	_ =	shalt  }
0x63: {  	_ =	shalt  }
0x64: {  	_ =	shalt  }
0x65: {  	_ =	shalt  }
0x66: {  	_ =	shalt  }
0x67: {  	_ =	shalt  }
0x68: {  	_ =	shalt  }
0x69: {  	_ =	shalt  }
0x6a: {  	_ =	shalt  }
0x6b: {  	_ =	shalt  }
0x6c: {  	_ =	shalt  }
0x6d: {  	_ =	shalt  }
0x6e: {  	_ =	shalt  }
0x6f: {  	_ =	shalt  }
0x70: {  	_ =	shalt  }
0x71: {  	_ =	shalt  }
0x72: {  	_ =	shalt  }
0x73: {  	_ =	shalt  }
0x74: {  	_ =	shalt  }
0x75: {  	_ =	shalt  }
0x76: {  	_ =	shalt  }
0x77: {  	_ =	shalt  }
0x78: {  	_ =	shalt  }
0x79: {  	_ =	shalt  }
0x7a: {  	_ =	shalt  }
0x7b: {  	_ =	shalt  }
0x7c: {  	_ =	shalt  }
0x7d: {  	_ =	shalt  }
0x7e: {  	_ =	shalt  }
0x7f: {  	_ =	shalt  }
0x80: {  	_ =	shalt  }
0x81: {  	_ =	shalt  }
0x82: {  	_ =	shalt  }
0x83: {  	_ =	shalt  }
0x84: {  	_ =	shalt  }
0x85: {  	_ =	shalt  }
0x86: {  	_ =	shalt  }
0x87: {  	_ =	shalt  }
.Lfunc_end0:
.L_simem_size_0:
called_computation_lowered:
.L_overlay_start_0:
0x88: {  	s2 =	sld [smem:$0x3FD9]  }
0x89: {  	s3 =	sld [smem:$0x3FFE];
	_ =	sdelay $0x1  }
0x8a: {  	s1 =	srdreg.scid  }
0x8b: {  	s0 =	sand.u32 $0x1, s1  }
0x8c: {  	s17 =	sshll.u32 s0, $0xA;
	s2 =	sadd.s32 s3, s2  }
0x8d: {  	s2 =	sadd.s32 s2, s17  }
0x8e: {  	[smem:$0x3FC6] =	sst s2  }
0x8f: {  	_ = 	snop  }
0x90: {  	s2 =	sld [smem:$0x3FD0];
	(tm) =	ssettm $0x1  }
0x91: {  	s18 =	sld [smem:$0x3FFB];
	_ =	sdelay $0x3  }
0x92: {  	_ =	strace s18  }
0x93: {  	s3 =	sld [smem:$0x3FFC];
	_ =	sdelay $0x3  }
0x94: {  	_ =	strace s3  }
0x95: {  	s3 =	sld [smem:$0x3FFD];
	_ =	sdelay $0x3  }
0x96: {  	_ =	strace s3  }
0x97: {  	_ =	strace $0x8FFFFFFF  }
0x98: {  	s19 =	sld [smem:$0x3FDB];
	_ =	sdelay $0x1  }
0x99: {  	s4 =	simm.s32 $_scs_section_size  }
0x9a: {  	s5 =	simm.s32 $_size__tile_overlayer_lowered;
	s6 =	simm.s32 $_tile_overlayer_lowered  }
0x9b: {  	s22 =	simm.s32 $0x1BFF;
	s21 =	sshll.u32 s6, $0x1;
	s3 =	sadd.s32 s4, s19  }
0x9c: {  	s7 =	simm.s32 $0x0;
	s20 =	sshll.u32 s5, $0x1;
	s5 =	sadd.s32 s21, s3  }
0x9d: {  	[timem:s7], [sflag:s22] =	dma.local [hbm:s5], s20  }
0x9e: {  	_ =	swait.ge [sflag:s22], s20  }
0x9f: {  	s4 =	ssub.s32 $0x0, s20;
	[sflag:s22] =	ssyncset.done $0x0  }
0xa0: {  	[sflag:s22] =	ssyncadd.s32 s4;
	_ =	sdelay $0x1  }
0xa1: {  	s23 =	simm.s32 $0x1B8B  }
0xa2: {  	_ =	swait.ge [sflag:s23], $0x1  }
0xa3: {  	[sflag:s23] =	ssyncset.done $0x0  }
0xa4: {  	s25 =	simm.s32 $0x1B8E;
	s24 =	sld [smem:$0x3FFE];
	[sflag:s23] =	ssyncadd.s32 $0xFFFFFFFF  }
0xa5: {  	s26 =	simm.s32 $execute0_lowered;
	[smem:$0x3FD2] =	sst s25  }
0xa6: {  	s5 =	sshll.u32 s26, $0x1;
	_ =	strace $0x80000046;
	[dreg:$0x1] =	wrdreg $0xFFFFFFFF  }
0xa7: {  	s28 =	simm.s32 $_size_execute0_lowered;
	s3 =	sadd.s32 s3, s5;
	[dreg:$0x0] =	wrdreg $0x0  }
0xa8: {  	s5 =	sshll.u32 s28, $0x1;
	[dreg:$0x2] =	wrdreg s3  }
0xa9: {  	[dreg:$0x3] =	wrdreg s5  }
0xaa: {  	[dreg:$0x4] =	wrdreg $0xC0  }
0xab: {  	_ =	task [dreg:s7], $0x5FFFF  }
0xac: {  	[dreg:$0x1] =	wrdreg $0xFFFFFFFF  }
0xad: {  	[dreg:$0x0] =	wrdreg $0x60  }
0xae: {  	[dreg:$0x2] =	wrdreg s24  }
0xaf: {  	[dreg:$0x3] =	wrdreg s2  }
0xb0: {  	[dreg:$0x4] =	wrdreg $0x9  }
0xb1: {  	_ =	task.clear_ibuf [dreg:s7], $0x5FFFF;
	_ =	strace $0x90000046  }
0xb2: {  	s29 =	simm.s32 $0x9;
	_ =	strace $0x80000048  }
0xb3: {  	_ =	swait.ge [sflag:s29], $0x1  }
0xb4: {  	[sflag:s29] =	ssyncadd.s32 $0xFFFFFFFF  }
0xb5: {  	_ =	strace $0x90000048  }
0xb6: {  	_ =	sfence  }
0xb7: {  	s30 =	sld [smem:$0x0];
	_ =	sdelay $0x2  }
0xb8: {  	s31 =	sshll.u32 s1, $0xD;
	s1 =	sshrl.u32 s1, $0x2  }
0xb9: {  	s3 =	sand.u32 $0x4000, s31;
	s1 =	sadd.s32 s1, s30  }
0xba: {  	s0 =	sor.u32 s3, s0;
	s1 =	sshll.u32 s1, $0x11  }
0xbb: {  	s0 =	sor.u32 s1, s0  }
0xbc: {  	s0 =	sadd.s32 $0x8F2B, s0  }
0xbd: {  	[sflag:s0] =	ssyncadd.remote.s32 $0x1  }
0xbe: {  	_ =	sfence.sel $0xFFFF  }
0xbf: {  	[dreg:$0x0] =	wrdreg $0xFFFFFFFF;
	(pc) =	sbr.abs _section_cstart, $3  }
0xc0: {  	[dreg:$0x1] =	wrdreg $0xFFFFFFFF  }
0xc1: {  	_ =	task.clear_ibuf [dreg:s7], $0x2FFFF;
	_ =	strace $0x9FFFFFFF  }
0xc2: {  	(tm) =	ssettm $0x7FFFFFFF  }
0xc3: {  	_ =	shalt  }
tec
execute0_lowered:
.L_overlay_start_1:
0x0: {  	(tag) =	ssettag $0x1  }
0x1: {  	s0 =	rddreg [dreg:$0x0];
	s1 =	srdreg.scid  }
0x2: {  	s3 =	stileid.u32;
	s2 =	rddreg [dreg:$0x1];
	s11 =	simm.s32 $0x80  }
0x3: {  	s15 =	simm.s32 $0x8400;
	s17 =	simm.s32 $0xA400;
	s19 =	simm.s32 $0xC400  }
0x4: {  	s20 =	simm.s32 $0x1;
	s21 =	simm.s32 $0xE400;
	s22 =	simm.s32 $0x2  }
0x5: {  	s23 =	simm.s32 $0x6;
	s24 =	simm.s32 $0x10600;
	s28 =	simm.s32 $0x12800  }
0x6: {  	s29 =	simm.s32 $0x4;
	s30 =	simm.s32 $0x8;
	s31 =	simm.s32 $0x14A00  }
0x7: {  	s1 =	sand.u32 $0x1, s1;
	s4 =	sshll.u32 s3, $0x1;
	s3 =	simm.s32 $0x0  }
0x8: {  	s8 =	sadd.s32 $0x10000, s2;
	s9 =	sadd.s32 $0x18000, s2;
	s5 =	sor.u32 s1, s4  }
0x9: {  	[smem:$0x7FF] =	sst s3;
	s1 =	ssub.s32 $0x2, s1;
	s4 =	sshll.u32 s5, $0x4  }
.Ltmp0:
0xa: {  	_ =	strace $0x80000047;
	s7 =	sshrl.u32 s1, $0x1;
	(pc) =	sbr.rel .LBB2_1-.Ltmp0, $4  }
0xb: {  	v0 =	vlaneseq.u32;
	s6 =	sadd.s32 s4, s0;
	s4 =	sadd.s32 $0xF42A00, s0;
	s25 =	ssub.s32 s1, s7  }
0xc: {  	v0 =	vmul.u32 $0x88, v0;
	s7 =	sadd.s32 $0x8000, s2;
	s1 =	simm.s32 $0x0;
	s26 =	sadd.s32 $0x600, s6  }
0xd: {  	s6 =	sshll.u32 s5, $0x7;
	s0 =	smax.u32 s25, $0x1;
	[dreg:$0x3] =	wrdreg s26  }
0xe: {  	v1 =	vadd.s32 $0x880, v0;
	v2 =	vadd.s32 $0x1100, v0;
	v3 =	vadd.s32 $0x1980, v0;
	s25 =	simm.s32 $0x3;
	[dreg:$0x4] =	wrdreg s0;
	s26 =	simm.s32 $0x7  }
.LBB2_32:
0xf: {  	s0 =	simm.s32 $0x5  }
0x10: {  	_ =	swait.ge [sflag:s0], $0x2000  }
0x11: {  	[sflag:s0] =	ssyncset.done $0x0  }
0x12: {  	[sflag:s0] =	ssyncadd.s32 $0xFFFFE000  }
0x13: {  	_ =	swait.ge [sflag:s23], $0x2000  }
0x14: {  	[sflag:s23] =	ssyncset.done $0x0  }
0x15: {  	[sflag:s23] =	ssyncadd.s32 $0xFFFFE000  }
0x16: {  	_ =	swait.ge [sflag:s26], $0x2000  }
0x17: {  	[sflag:s26] =	ssyncset.done $0x0  }
0x18: {  	[sflag:s26] =	ssyncadd.s32 $0xFFFFE000  }
0x19: {  	_ =	swait.ge [sflag:s30], $0x2000  }
0x1a: {  	s1 =	rddreg [dreg:$0x5]  }
0x1b: {  	s18 =	rddreg [dreg:$0x4];
	s1 =	sadd.s32 $0x1, s1  }
0x1c: {  	p0 =	sne.s32 s1, s18  }
.Ltmp1:
0x1d: {  	_ = 	snop;
	(pc) =	sbr.rel @!p0 .LBB2_33-.Ltmp1, $3  }
0x1e: {  	_ =	sdelay $0x1  }
0x1f: {  	[sflag:s30] =	ssyncset.done $0x0  }
0x20: {  	[sflag:s30] =	ssyncadd.s32 $0xFFFFE000  }
.LBB2_1:
0x21: {  	[dreg:$0x5] =	wrdreg s1  }
0x22: {  	s0 =	rddreg [dreg:$0x3];
	s12 =	simm.s32 $0x1000;
	s13 =	simm.s32 $0x9  }
0x23: {  	[tilespmem:s3], [sflag:$0x9] =	stream.strided.gather [hbm4b:s0+s11], $0x6400, s12, s11, $0x38;
	[tilespmem:$0x16C00] =	vst v63  }
0x24: {  	_ =	swait.ge [sflag:s13], $0x6400  }
0x25: {  	[sflag:s13] =	ssyncset.done $0x0  }
0x26: {  	s14 =	simm.s32 $0x6400;
	[sflag:s13] =	ssyncadd.s32 $0xFFFF9C00  }
0x27: {  	[tilespmem:s14], [sflag:$0x1] =	stream.indirect.gather [hbm4b:s4+s11], $0x40, s3, s11, $0xb8;
	[tilespmem:$0x16C00] =	vst v63  }
0x28: {  	_ = 	snop  }
0x29: {  	[tilespmem:s15], [sflag:$0x2] =	stream.indirect.gather [hbm4b:s4+s11], $0x40, s11, s11, $0xb8;
	[tilespmem:$0x16C00] =	vst v63  }
0x2a: {  	s16 =	simm.s32 $0x100  }
0x2b: {  	[tilespmem:s17], [sflag:$0x3] =	stream.indirect.gather [hbm4b:s4+s11], $0x40, s16, s11, $0xb8;
	[tilespmem:$0x16C00] =	vst v63  }
0x2c: {  	s18 =	simm.s32 $0x180;
	s12 =	simm.s32 $0x0  }
0x2d: {  	[tilespmem:s19], [sflag:$0x4] =	stream.indirect.gather [hbm4b:s4+s11], $0x40, s18, s11, $0xb8;
	[tilespmem:$0x16C00] =	vst v63  }
.LBB2_2:
0x2e: {  	_ =	swait.ge [sflag:s20], $0x2000  }
0x2f: {  	p0 =	seq.s32 s12, $0x0;
	[sflag:s20] =	ssyncset.done $0x0  }
0x30: {  	s0 =	simm.s32 @!p0 $0x5;
	[sflag:s20] =	ssyncadd.s32 $0xFFFFE000  }
0x31: {  	_ =	swait.ge @!p0 [sflag:s0], $0x2000  }
0x32: {  	[sflag:s0] =	ssyncset.done @!p0 $0x0  }
0x33: {  	s13 =	simm.s32 $0x6480;
	s1 =	simm.s32 $0x3;
	[sflag:s0] =	ssyncadd.s32 @!p0 $0xFFFFE000  }
0x34: {  	v4 =	vmov s1;
	v5 =	vld [tilespmem:s13+$0x40]  }
0x35: {  	v9 =	vand.u32 $0x7F, v4  }
0x36: {  	s5 =	simm.s32 $0x0;
	v4 =	vadd.s32 v0, v9  }
0x37: {  	s10 =	simm.s32 $0x1;
	v6 =	vmov s5;
	s1 =	simm.s32 $0x2;
	v7 =	vld [tilespmem:s13+$0xFFFFFF80]  }
0x38: {  	v8 =	vand.u32 $0x7C, v6;
	v6 =	vmov s10;
	v11 =	vmov s1;
	v10 =	vld [tilespmem:s13+$0xFFFFFFC0]  }
0x39: {  	v12 =	vadd.s32 v0, v8;
	v15 =	vand.u32 $0x7D, v6;
	v6 =	vld [tilespmem:s13+$0x0];
	v5 =	vmul.f32 $8.000000000e+00, v5  }
0x3a: {  	v17 =	vand.u32 $0x7E, v11;
	v13 =	vadd.s32 v0, v15  }
0x3b: {  	v11 =	vadd.s32 v0, v17;
	[tilespmem:v4+s21+$0x0] =	vst.idx.msk $0xffff, v5  }
0x3c: {  	v4 =	vmul.f32 $8.000000000e+00, v7;
	v5 =	vld [tilespmem:s13+$0x50]  }
0x3d: {  	v7 =	vmul.f32 $8.000000000e+00, v10  }
0x3e: {  	[tilespmem:v12+s21+$0x0] =	vst.idx.msk $0xffff, v4;
	v4 =	vmul.f32 $8.000000000e+00, v6;
	v6 =	vadd.s32 v1, v9  }
0x3f: {  	[tilespmem:v13+s21+$0x0] =	vst.idx.msk $0xffff, v7;
	v10 =	vld [tilespmem:s13+$0xFFFFFF90]  }
0x40: {  	v7 =	vld [tilespmem:s13+$0xFFFFFFD0];
	[tilespmem:v11+s21+$0x0] =	vst.idx.msk $0xffff, v4  }
0x41: {  	v11 =	vld [tilespmem:s13+$0x10];
	v4 =	vmul.f32 $8.000000000e+00, v5  }
0x42: {  	s14 =	simm.s32 $0x4;
	s16 =	simm.s32 $0x7;
	s18 =	simm.s32 $0x6580;
	v12 =	vadd.s32 v1, v15  }
0x43: {  	v14 =	vld [tilespmem:s18+$0x40];
	v13 =	vadd.s32 v1, v17;
	v5 =	vmov s14;
	[tilespmem:v6+s21+$0x0] =	vst.idx.msk $0xffff, v4;
	v6 =	vmov s16  }
0x44: {  	v16 =	vadd.s32 v1, v8;
	v4 =	vand.u32 $0x7C, v5;
	v5 =	vand.u32 $0x7F, v6;
	v18 =	vld [tilespmem:s13+$0x60]  }
0x45: {  	s5 =	simm.s32 $0x5;
	v22 =	vadd.s32 v2, v9;
	v19 =	vld [tilespmem:s18+$0xFFFFFF80];
	v6 =	vmul.f32 $8.000000000e+00, v7;
	v20 =	vadd.s32 v0, v5  }
0x46: {  	s10 =	simm.s32 $0x6;
	v21 =	vld [tilespmem:s18+$0xFFFFFFC0];
	v10 =	vmul.f32 $8.000000000e+00, v10;
	v7 =	vmul.f32 $8.000000000e+00, v11;
	v11 =	vmov s5  }
0x47: {  	v23 =	vadd.s32 v0, v4;
	[tilespmem:v12+s21+$0x0] =	vst.idx.msk $0xffff, v6;
	v12 =	vmov s10;
	v6 =	vand.u32 $0x7D, v11;
	v11 =	vld [tilespmem:s18+$0x0]  }
0x48: {  	[tilespmem:v13+s21+$0x0] =	vst.idx.msk $0xffff, v7;
	v13 =	vadd.s32 v0, v6;
	v7 =	vand.u32 $0x7E, v12;
	v12 =	vmul.f32 $8.000000000e+00, v14;
	v14 =	vld [tilespmem:s13+$0xFFFFFFE0]  }
0x49: {  	[tilespmem:v16+s21+$0x0] =	vst.idx.msk $0xffff, v10;
	v10 =	vadd.s32 v0, v7;
	v16 =	vld [tilespmem:s13+$0x20];
	v18 =	vmul.f32 $8.000000000e+00, v18  }
0x4a: {  	v19 =	vmul.f32 $8.000000000e+00, v19;
	[tilespmem:v20+s21+$0x0] =	vst.idx.msk $0xffff, v12;
	v12 =	vld [tilespmem:s13+$0xFFFFFFA0];
	v20 =	vadd.s32 v2, v15  }
0x4b: {  	v25 =	vadd.s32 v2, v17;
	v21 =	vmul.f32 $8.000000000e+00, v21;
	v24 =	vld [tilespmem:s18+$0x50];
	[tilespmem:v22+s21+$0x0] =	vst.idx.msk $0xffff, v18  }
0x4c: {  	[tilespmem:v23+s21+$0x0] =	vst.idx.msk $0xffff, v19;
	v19 =	vadd.s32 v2, v8;
	v11 =	vmul.f32 $8.000000000e+00, v11;
	v22 =	vld [tilespmem:s13+$0x70]  }
0x4d: {  	v23 =	vld [tilespmem:s18+$0xFFFFFF90];
	[tilespmem:v13+s21+$0x0] =	vst.idx.msk $0xffff, v21;
	v21 =	vadd.s32 v1, v5;
	v14 =	vmul.f32 $8.000000000e+00, v14  }
0x4e: {  	v27 =	vadd.s32 v3, v9;
	v26 =	vld [tilespmem:s18+$0xFFFFFFD0];
	[tilespmem:v10+s21+$0x0] =	vst.idx.msk $0xffff, v11;
	v10 =	vmul.f32 $8.000000000e+00, v16  }
0x4f: {  	v18 =	vadd.s32 v1, v4;
	v13 =	vld [tilespmem:s18+$0x10];
	v9 =	vmul.f32 $8.000000000e+00, v12;
	[tilespmem:v20+s21+$0x0] =	vst.idx.msk $0xffff, v14  }
0x50: {  	s10 =	simm.s32 $0x8;
	v16 =	vadd.s32 v1, v6;
	[tilespmem:v25+s21+$0x0] =	vst.idx.msk $0xffff, v10;
	v14 =	vmul.f32 $8.000000000e+00, v24;
	v12 =	vld [tilespmem:s13+$0xFFFFFFF0]  }
0x51: {  	v20 =	vmov s10;
	v10 =	vadd.s32 v1, v7;
	v11 =	vld [tilespmem:s13+$0x30];
	[tilespmem:v19+s21+$0x0] =	vst.idx.msk $0xffff, v9;
	v63 =	vmul.f32 $8.000000000e+00, v22  }
0x52: {  	s14 =	simm.s32 $0xB;
	s5 =	simm.s32 $0x6680;
	v15 =	vadd.s32 v3, v15;
	v9 =	vand.u32 $0x7C, v20;
	v20 =	vmul.f32 $8.000000000e+00, v23;
	[tilespmem:v21+s21+$0x0] =	vst.idx.msk $0xffff, v14;
	v14 =	vld [tilespmem:s13+$0xFFFFFFB0]  }
0x53: {  	s1 =	simm.s32 $0xC;
	v17 =	vadd.s32 v3, v17;
	s16 =	sshll.u32 s12, $0xB;
	v22 =	vmov s14;
	v19 =	vld [tilespmem:s5+$0x40];
	v21 =	vmul.f32 $8.000000000e+00, v26;
	[tilespmem:v27+s21+$0x0] =	vst.idx.msk $0xffff, v63  }
.LBB2_3:
0x54: {  	p1 =	slt.u32 s1, $0x7C;
	s0 =	sadd.s32 $0x1, s10;
	v22 =	vand.u32 $0x7F, v22;
	[tilespmem:v18+s21+$0x0] =	vst.idx.msk $0xffff, v20;
	v13 =	vmul.f32 $8.000000000e+00, v13;
	v18 =	vld [tilespmem:s18+$0x60];
	v20 =	vadd.s32 v3, v8;
	v8 =	vmovc v4  }
0x55: {  	v4 =	vmovc v9;
	v23 =	vld [tilespmem:s5+$0xFFFFFF80];
	v24 =	vmov s0;
	s0 =	sadd.s32 $0x2, s10;
	v25 =	vadd.s32 v0, v22;
	[tilespmem:v16+s21+$0x0] =	vst.idx.msk $0xffff, v21;
	v12 =	vmul.f32 $8.000000000e+00, v12;
	s10 =	smov.u32 s1  }
0x56: {  	v9 =	vld [tilespmem:s5+$0xFFFFFFC0];
	v16 =	vmov s0;
	[tilespmem:v10+s21+$0x0] =	vst.idx.msk $0xffff, v13;
	v10 =	vadd.s32 v2, v5;
	v11 =	vmul.f32 $8.000000000e+00, v11  }
0x57: {  	v13 =	vadd.s32 v0, v4;
	v21 =	vand.u32 $0x7D, v24;
	v24 =	vld [tilespmem:s5+$0x0];
	v14 =	vmul.f32 $8.000000000e+00, v14;
	[tilespmem:v15+s21+$0x0] =	vst.idx.msk $0xffff, v12  }
0x58: {  	v12 =	vadd.s32 v0, v21;
	v26 =	vand.u32 $0x7E, v16;
	v15 =	vmul.f32 $8.000000000e+00, v19;
	v16 =	vld [tilespmem:s18+$0xFFFFFFE0];
	[tilespmem:v17+s21+$0x0] =	vst.idx.msk $0xffff, v11  }
0x59: {  	v11 =	vadd.s32 v0, v26;
	v17 =	vld [tilespmem:s18+$0x20];
	v18 =	vmul.f32 $8.000000000e+00, v18;
	[tilespmem:v20+s21+$0x0] =	vst.idx.msk $0xffff, v14  }
0x5a: {  	v19 =	vadd.s32 v2, v6;
	v14 =	vmul.f32 $8.000000000e+00, v23;
	[tilespmem:v25+s21+$0x0] =	vst.idx.msk $0xffff, v15;
	v15 =	vld [tilespmem:s18+$0xFFFFFFA0]  }
0x5b: {  	v23 =	vadd.s32 v2, v7;
	v9 =	vmul.f32 $8.000000000e+00, v9;
	v20 =	vld [tilespmem:s5+$0x50];
	[tilespmem:v10+s21+$0x0] =	vst.idx.msk $0xffff, v18  }
0x5c: {  	[tilespmem:v13+s21+$0x0] =	vst.idx.msk $0xffff, v14;
	v10 =	vmul.f32 $8.000000000e+00, v24;
	v14 =	vadd.s32 v2, v8;
	v24 =	vld [tilespmem:s18+$0x70]  }
0x5d: {  	v27 =	vadd.s32 v1, v22;
	v25 =	vld [tilespmem:s5+$0xFFFFFF90];
	[tilespmem:v12+s21+$0x0] =	vst.idx.msk $0xffff, v9;
	v9 =	vmul.f32 $8.000000000e+00, v16  }
0x5e: {  	v29 =	vadd.s32 v3, v5;
	v5 =	vmov v22;
	v28 =	vld [tilespmem:s5+$0xFFFFFFD0];
	[tilespmem:v11+s21+$0x0] =	vst.idx.msk $0xffff, v10;
	v10 =	vmul.f32 $8.000000000e+00, v17  }
.Ltmp2:
0x5f: {  	v18 =	vadd.s32 v1, v4;
	v13 =	vld [tilespmem:s5+$0x10];
	v11 =	vmul.f32 $8.000000000e+00, v15;
	[tilespmem:v19+s21+$0x0] =	vst.idx.msk $0xffff, v9;
	(pc) =	sbr.rel @p1 .LBB2_3-.Ltmp2, $4  }
0x60: {  	v16 =	vadd.s32 v1, v21;
	v15 =	vmul.f32 $8.000000000e+00, v20;
	v12 =	vld [tilespmem:s18+$0xFFFFFFF0];
	[tilespmem:v23+s21+$0x0] =	vst.idx.msk $0xffff, v10  }
0x61: {  	v9 =	vmov s1;
	v10 =	vadd.s32 v1, v26;
	[tilespmem:v14+s21+$0x0] =	vst.idx.msk $0xffff, v11;
	v11 =	vld [tilespmem:s18+$0x30];
	v23 =	vmul.f32 $8.000000000e+00, v24  }
0x62: {  	s0 =	sadd.s32 $0x3, s1;
	v9 =	vand.u32 $0x7C, v9;
	v20 =	vmul.f32 $8.000000000e+00, v25;
	[tilespmem:v27+s21+$0x0] =	vst.idx.msk $0xffff, v15;
	v14 =	vld [tilespmem:s18+$0xFFFFFFB0];
	v15 =	vadd.s32 v3, v6;
	v6 =	vmovc v21;
	s18 =	smov.u32 s5;
	s5 =	sadd.s32 $0x100, s5  }
0x63: {  	v22 =	vmov s0;
	v17 =	vadd.s32 v3, v7;
	v7 =	vmovc v26;
	s1 =	sadd.s32 $0x4, s1;
	v19 =	vld [tilespmem:s5+$0x40];
	v21 =	vmul.f32 $8.000000000e+00, v28;
	[tilespmem:v29+s21+$0x0] =	vst.idx.msk $0xffff, v23  }
0x64: {  	s0 =	sadd.s32 $0x1, s10;
	v22 =	vand.u32 $0x7F, v22;
	v28 =	vld [tilespmem:s5+$0xFFFFFF80]  }
0x65: {  	s14 =	sadd.s32 $0x2, s10;
	v24 =	vld [tilespmem:s5+$0xFFFFFFC0];
	v23 =	vmov s0;
	v25 =	vadd.s32 v0, v22  }
0x66: {  	v27 =	vld [tilespmem:s5+$0x0];
	v51 =	vadd.s32 v0, v9;
	v26 =	vmov s14;
	v23 =	vand.u32 $0x7D, v23  }
0x67: {  	v26 =	vand.u32 $0x7E, v26;
	v29 =	vadd.s32 v0, v23  }
0x68: {  	[tilespmem:v18+s21+$0x0] =	vst.idx.msk $0xffff, v20;
	v30 =	vadd.s32 v0, v26;
	v19 =	vmul.f32 $8.000000000e+00, v19  }
0x69: {  	[tilespmem:v16+s21+$0x0] =	vst.idx.msk $0xffff, v21;
	v54 =	vmul.f32 $8.000000000e+00, v28  }
0x6a: {  	v52 =	vmul.f32 $8.000000000e+00, v24;
	[tilespmem:v25+s21+$0x0] =	vst.idx.msk $0xffff, v19  }
0x6b: {  	v53 =	vmul.f32 $8.000000000e+00, v27;
	v55 =	vld [tilespmem:s5+$0x50];
	[tilespmem:v51+s21+$0x0] =	vst.idx.msk $0xffff, v54  }
0x6c: {  	v13 =	vmul.f32 $8.000000000e+00, v13;
	v8 =	vadd.s32 v3, v8;
	[tilespmem:v29+s21+$0x0] =	vst.idx.msk $0xffff, v52;
	v59 =	vld [tilespmem:s5+$0xFFFFFF90]  }
0x6d: {  	v12 =	vmul.f32 $8.000000000e+00, v12;
	v57 =	vadd.s32 v1, v22;
	[tilespmem:v30+s21+$0x0] =	vst.idx.msk $0xffff, v53;
	v56 =	vld [tilespmem:s5+$0xFFFFFFD0]  }
0x6e: {  	[tilespmem:v10+s21+$0x0] =	vst.idx.msk $0xffff, v13;
	v58 =	vmul.f32 $8.000000000e+00, v11;
	v28 =	vadd.s32 v1, v9;
	v19 =	vld [tilespmem:s5+$0x10]  }
0x6f: {  	v61 =	vld [tilespmem:s18+$0x60];
	v60 =	vadd.s32 v1, v23;
	v14 =	vmul.f32 $8.000000000e+00, v14;
	[tilespmem:v15+s21+$0x0] =	vst.idx.msk $0xffff, v12  }
0x70: {  	v32 =	vld [tilespmem:s18+$0xFFFFFFA0];
	v62 =	vadd.s32 v1, v26;
	[tilespmem:v17+s21+$0x0] =	vst.idx.msk $0xffff, v58;
	v16 =	vmul.f32 $8.000000000e+00, v55  }
0x71: {  	[tilespmem:v8+s21+$0x0] =	vst.idx.msk $0xffff, v14;
	v29 =	vadd.s32 v2, v5;
	v30 =	vld [tilespmem:s18+$0x20];
	v11 =	vmul.f32 $8.000000000e+00, v59  }
0x72: {  	v38 =	vadd.s32 v2, v4;
	v63 =	vld [tilespmem:s18+$0xFFFFFFE0];
	v31 =	vmul.f32 $8.000000000e+00, v56;
	[tilespmem:v57+s21+$0x0] =	vst.idx.msk $0xffff, v16  }
0x73: {  	v35 =	vadd.s32 v2, v7;
	v34 =	vmul.f32 $8.000000000e+00, v19;
	v36 =	vld [tilespmem:s5+$0x60];
	[tilespmem:v28+s21+$0x0] =	vst.idx.msk $0xffff, v11  }
0x74: {  	v33 =	vadd.s32 v2, v6;
	v37 =	vmul.f32 $8.000000000e+00, v61;
	[tilespmem:v60+s21+$0x0] =	vst.idx.msk $0xffff, v31;
	v43 =	vld [tilespmem:s5+$0xFFFFFFA0]  }
0x75: {  	v40 =	vadd.s32 v2, v22;
	v14 =	vmul.f32 $8.000000000e+00, v32;
	[tilespmem:v62+s21+$0x0] =	vst.idx.msk $0xffff, v34;
	v39 =	vld [tilespmem:s5+$0xFFFFFFE0]  }
0x76: {  	v48 =	vadd.s32 v2, v9;
	[tilespmem:v29+s21+$0x0] =	vst.idx.msk $0xffff, v37;
	v42 =	vmul.f32 $8.000000000e+00, v30;
	v41 =	vld [tilespmem:s5+$0x20]  }
0x77: {  	v44 =	vadd.s32 v2, v23;
	v15 =	vmul.f32 $8.000000000e+00, v63;
	[tilespmem:v38+s21+$0x0] =	vst.idx.msk $0xffff, v14;
	v45 =	vld [tilespmem:s18+$0x70]  }
0x78: {  	v46 =	vadd.s32 v2, v26;
	v14 =	vld [tilespmem:s18+$0xFFFFFFB0];
	[tilespmem:v35+s21+$0x0] =	vst.idx.msk $0xffff, v42;
	v47 =	vmul.f32 $8.000000000e+00, v36  }
0x79: {  	v5 =	vadd.s32 v3, v5;
	[tilespmem:v33+s21+$0x0] =	vst.idx.msk $0xffff, v15;
	v49 =	vld [tilespmem:s18+$0x30];
	v53 =	vmul.f32 $8.000000000e+00, v43  }
0x7a: {  	v4 =	vadd.s32 v3, v4;
	v21 =	vld [tilespmem:s18+$0xFFFFFFF0];
	v12 =	vmul.f32 $8.000000000e+00, v39;
	[tilespmem:v40+s21+$0x0] =	vst.idx.msk $0xffff, v47  }
0x7b: {  	v52 =	vadd.s32 v3, v7;
	v51 =	vmul.f32 $8.000000000e+00, v41;
	v10 =	vld [tilespmem:s5+$0x70];
	[tilespmem:v48+s21+$0x0] =	vst.idx.msk $0xffff, v53  }
0x7c: {  	v50 =	vadd.s32 v3, v6;
	v54 =	vmul.f32 $8.000000000e+00, v45;
	[tilespmem:v44+s21+$0x0] =	vst.idx.msk $0xffff, v12;
	v59 =	vld [tilespmem:s5+$0xFFFFFFB0]  }
0x7d: {  	v57 =	vadd.s32 v3, v22;
	v14 =	vmul.f32 $8.000000000e+00, v14;
	[tilespmem:v46+s21+$0x0] =	vst.idx.msk $0xffff, v51;
	v55 =	vld [tilespmem:s5+$0xFFFFFFF0]  }
0x7e: {  	v62 =	vadd.s32 v3, v9;
	[tilespmem:v5+s21+$0x0] =	vst.idx.msk $0xffff, v54;
	v5 =	vmul.f32 $8.000000000e+00, v49;
	v58 =	vld [tilespmem:s5+$0x30]  }
0x7f: {  	v56 =	vmul.f32 $8.000000000e+00, v21;
	v60 =	vadd.s32 v3, v23;
	[tilespmem:v4+s21+$0x0] =	vst.idx.msk $0xffff, v14  }
0x80: {  	v61 =	vadd.s32 v3, v26;
	[tilespmem:v52+s21+$0x0] =	vst.idx.msk $0xffff, v5;
	v5 =	vmul.f32 $8.000000000e+00, v10  }
0x81: {  	[tilespmem:v50+s21+$0x0] =	vst.idx.msk $0xffff, v56;
	v63 =	vmul.f32 $8.000000000e+00, v59  }
0x82: {  	v4 =	vmul.f32 $8.000000000e+00, v55;
	[tilespmem:v57+s21+$0x0] =	vst.idx.msk $0xffff, v5  }
0x83: {  	s18 =	sshll.u32 s12, $0x11;
	v5 =	vmul.f32 $8.000000000e+00, v58;
	[tilespmem:v62+s21+$0x0] =	vst.idx.msk $0xffff, v63  }
0x84: {  	s18 =	sor.u32 s6, s18;
	[tilespmem:v60+s21+$0x0] =	vst.idx.msk $0xffff, v4  }
0x85: {  	s1 =	simm.s32 $0xE400;
	s5 =	sadd.s32 s2, s18;
	[tilespmem:v61+s21+$0x0] =	vst.idx.msk $0xffff, v5  }
0x86: {  	[hbm4b:s5+s3] =	stream.linear.scatter [tilespmem:s1], [sflag:$0x5], $0x80, $0x38;
	[tilespmem:$0x16C00] =	vst v63  }
0x87: {  	s10 =	simm.s32 $0xE488;
	s1 =	sadd.s32 $0x10, s5  }
0x88: {  	[hbm4b:s1+s3] =	stream.linear.scatter [tilespmem:s10], [sflag:$0x5], $0x80, $0x38;
	[tilespmem:$0x16C00] =	vst v63  }
0x89: {  	s13 =	simm.s32 $0xE510;
	s14 =	sadd.s32 $0x20, s5  }
0x8a: {  	[hbm4b:s14+s3] =	stream.linear.scatter [tilespmem:s13], [sflag:$0x5], $0x80, $0x38;
	[tilespmem:$0x16C00] =	vst v63  }
0x8b: {  	s1 =	simm.s32 $0xE598;
	s10 =	sadd.s32 $0x30, s5  }
0x8c: {  	[hbm4b:s10+s3] =	stream.linear.scatter [tilespmem:s1], [sflag:$0x5], $0x80, $0x38;
	[tilespmem:$0x16C00] =	vst v63  }
0x8d: {  	s13 =	simm.s32 $0xE620;
	s14 =	sadd.s32 $0x40, s5  }
0x8e: {  	[hbm4b:s14+s3] =	stream.linear.scatter [tilespmem:s13], [sflag:$0x5], $0x80, $0x38;
	[tilespmem:$0x16C00] =	vst v63  }
0x8f: {  	s0 =	sadd.s32 $0x70, s5;
	s1 =	simm.s32 $0xE6A8;
	s10 =	sadd.s32 $0x50, s5  }
0x90: {  	[hbm4b:s10+s3] =	stream.linear.scatter [tilespmem:s1], [sflag:$0x5], $0x80, $0x38;
	[tilespmem:$0x16C00] =	vst v63  }
0x91: {  	s13 =	simm.s32 $0xE730;
	s14 =	sadd.s32 $0x60, s5;
	s5 =	sadd.s32 $0x1000, s5  }
0x92: {  	[hbm4b:s14+s3] =	stream.linear.scatter [tilespmem:s13], [sflag:$0x5], $0x80, $0x38;
	[tilespmem:$0x16C00] =	vst v63  }
0x93: {  	s1 =	simm.s32 $0x440;
	s10 =	simm.s32 $0x2200;
	s13 =	simm.s32 $0xE7B8  }
.LBB2_5:
0x94: {  	[hbm4b:s0+s3] =	stream.linear.scatter [tilespmem:s13], [sflag:$0x5], $0x80, $0x38;
	[tilespmem:$0x16C00] =	vst v63  }
0x95: {  	s0 =	smov.u32 s1;
	s1 =	smov.u32 s10  }
0x96: {  	s14 =	sadd.s32 $0x1100, s10;
	s1 =	sshra.s32 s1, $0x2;
	s13 =	sadd.s32 $0xE400, s0  }
0x97: {  	[hbm4b:s5+s3] =	stream.linear.scatter [tilespmem:s13], [sflag:$0x5], $0x80, $0x38;
	[tilespmem:$0x16C00] =	vst v63  }
0x98: {  	p1 =	sne.s32 s10, $0x7700;
	s10 =	sadd.s32 $0xE488, s0;
	s13 =	sadd.s32 $0x10, s5  }
0x99: {  	[hbm4b:s13+s3] =	stream.linear.scatter [tilespmem:s10], [sflag:$0x5], $0x80, $0x38;
	[tilespmem:$0x16C00] =	vst v63  }
0x9a: {  	s10 =	sadd.s32 $0xE510, s0;
	s13 =	sadd.s32 $0x20, s5  }
0x9b: {  	[hbm4b:s13+s3] =	stream.linear.scatter [tilespmem:s10], [sflag:$0x5], $0x80, $0x38;
	[tilespmem:$0x16C00] =	vst v63  }
0x9c: {  	s10 =	sadd.s32 $0xE598, s0;
	s13 =	sadd.s32 $0x30, s5  }
0x9d: {  	[hbm4b:s13+s3] =	stream.linear.scatter [tilespmem:s10], [sflag:$0x5], $0x80, $0x38;
	[tilespmem:$0x16C00] =	vst v63  }
0x9e: {  	s10 =	sadd.s32 $0xE620, s0;
	s13 =	sadd.s32 $0x40, s5  }
0x9f: {  	[hbm4b:s13+s3] =	stream.linear.scatter [tilespmem:s10], [sflag:$0x5], $0x80, $0x38;
	[tilespmem:$0x16C00] =	vst v63  }
0xa0: {  	s10 =	sadd.s32 $0xE6A8, s0;
	s13 =	sadd.s32 $0x50, s5  }
0xa1: {  	[hbm4b:s13+s3] =	stream.linear.scatter [tilespmem:s10], [sflag:$0x5], $0x80, $0x38;
	[tilespmem:$0x16C00] =	vst v63  }
.Ltmp3:
0xa2: {  	_ = 	snop;
	(pc) =	sbr.rel @p1 .LBB2_5-.Ltmp3, $4  }
0xa3: {  	s10 =	sadd.s32 $0xE730, s0;
	s13 =	sadd.s32 $0x60, s5  }
0xa4: {  	[hbm4b:s13+s3] =	stream.linear.scatter [tilespmem:s10], [sflag:$0x5], $0x80, $0x38;
	[tilespmem:$0x16C00] =	vst v63  }
0xa5: {  	s13 =	sadd.s32 $0xE7B8, s0  }
0xa6: {  	s0 =	sadd.s32 $0x70, s5;
	s5 =	sadd.s32 $0x1000, s5;
	s10 =	smov.u32 s14  }
0xa7: {  	[hbm4b:s0+s3] =	stream.linear.scatter [tilespmem:s13], [sflag:$0x5], $0x80, $0x38;
	[tilespmem:$0x16C00] =	vst v63  }
0xa8: {  	s13 =	sadd.s32 $0xE400, s1  }
0xa9: {  	[hbm4b:s5+s3] =	stream.linear.scatter [tilespmem:s13], [sflag:$0x5], $0x80, $0x38;
	[tilespmem:$0x16C00] =	vst v63  }
0xaa: {  	s14 =	sadd.s32 $0xE488, s1;
	s10 =	sadd.s32 $0x10, s5  }
0xab: {  	[hbm4b:s10+s3] =	stream.linear.scatter [tilespmem:s14], [sflag:$0x5], $0x80, $0x38;
	[tilespmem:$0x16C00] =	vst v63  }
0xac: {  	s13 =	sadd.s32 $0xE510, s1;
	s14 =	sadd.s32 $0x20, s5  }
0xad: {  	[hbm4b:s14+s3] =	stream.linear.scatter [tilespmem:s13], [sflag:$0x5], $0x80, $0x38;
	[tilespmem:$0x16C00] =	vst v63  }
0xae: {  	s13 =	sadd.s32 $0xE598, s1;
	s14 =	sadd.s32 $0x30, s5  }
0xaf: {  	[hbm4b:s14+s3] =	stream.linear.scatter [tilespmem:s13], [sflag:$0x5], $0x80, $0x38;
	[tilespmem:$0x16C00] =	vst v63  }
0xb0: {  	s13 =	sadd.s32 $0xE620, s1;
	s14 =	sadd.s32 $0x40, s5  }
0xb1: {  	[hbm4b:s14+s3] =	stream.linear.scatter [tilespmem:s13], [sflag:$0x5], $0x80, $0x38;
	[tilespmem:$0x16C00] =	vst v63  }
0xb2: {  	p1 =	sne.s32 s12, $0x31;
	s13 =	sadd.s32 $0xE6A8, s1;
	s14 =	sadd.s32 $0x50, s5  }
0xb3: {  	[hbm4b:s14+s3] =	stream.linear.scatter [tilespmem:s13], [sflag:$0x5], $0x80, $0x38;
	[tilespmem:$0x16C00] =	vst v63  }
.Ltmp4:
0xb4: {  	_ = 	snop;
	(pc) =	sbr.rel @p1 .LBB2_8-.Ltmp4, $4  }
0xb5: {  	s13 =	sadd.s32 $0xE730, s1;
	s14 =	sadd.s32 $0x60, s5  }
0xb6: {  	[hbm4b:s14+s3] =	stream.linear.scatter [tilespmem:s13], [sflag:$0x5], $0x80, $0x38;
	[tilespmem:$0x16C00] =	vst v63  }
0xb7: {  	s13 =	sadd.s32 $0xE7B8, s1;
	s14 =	sadd.s32 $0x70, s5  }
0xb8: {  	[hbm4b:s14+s3] =	stream.linear.scatter [tilespmem:s13], [sflag:$0x5], $0x80, $0x38;
	[tilespmem:$0x16C00] =	vst v63  }
.Ltmp5:
0xb9: {  	(pc) =	sbr.rel .LBB2_9-.Ltmp5, $4  }
0xba: {  	_ = 	snop  }
0xbb: {  	_ =	swait.ge [sflag:s22], $0x2000  }
0xbc: {  	[sflag:s22] =	ssyncset.done $0x0  }
0xbd: {  	[sflag:s22] =	ssyncadd.s32 $0xFFFFE000  }
.LBB2_8:
0xbe: {  	s0 =	sshrl.u32 s16, $0x2  }
.Ltmp6:
0xbf: {  	s1 =	simm.s32 $0x6400;
	s0 =	sadd.s32 $0x200, s0;
	(pc) =	sbr.rel @p0 .LBB2_10-.Ltmp6, $4  }
0xc0: {  	[tilespmem:s1], [sflag:$0x1] =	stream.indirect.gather [hbm4b:s4+s11], $0x40, s0, s11, $0xb8;
	[tilespmem:$0x16C00] =	vst v63  }
0xc1: {  	_ =	swait.ge [sflag:s22], $0x2000  }
0xc2: {  	[sflag:s22] =	ssyncset.done $0x0  }
0xc3: {  	[sflag:s22] =	ssyncadd.s32 $0xFFFFE000  }
.LBB2_9:
0xc4: {  	_ =	swait.ge [sflag:s23], $0x2000  }
0xc5: {  	[sflag:s23] =	ssyncset.done $0x0  }
0xc6: {  	[sflag:s23] =	ssyncadd.s32 $0xFFFFE000  }
.LBB2_10:
0xc7: {  	s1 =	simm.s32 $0x84F0;
	s0 =	simm.s32 $0x3  }
0xc8: {  	v4 =	vmov s0;
	v5 =	vld [tilespmem:s1+$0xFFFFFFD0]  }
0xc9: {  	v9 =	vand.u32 $0x7F, v4  }
0xca: {  	s10 =	simm.s32 $0x0;
	v4 =	vadd.s32 v0, v9  }
0xcb: {  	s13 =	simm.s32 $0x1;
	s5 =	simm.s32 $0x2;
	v6 =	vmov s10;
	v7 =	vld [tilespmem:s1+$0xFFFFFF10]  }
0xcc: {  	v10 =	vld [tilespmem:s1+$0xFFFFFF50];
	v11 =	vmov s5;
	v8 =	vand.u32 $0x7C, v6;
	v6 =	vmov s13  }
0xcd: {  	v12 =	vadd.s32 v0, v8;
	v15 =	vand.u32 $0x7D, v6;
	v6 =	vld [tilespmem:s1+$0xFFFFFF90];
	v5 =	vmul.f32 $8.000000000e+00, v5  }
0xce: {  	v17 =	vand.u32 $0x7E, v11;
	v13 =	vadd.s32 v0, v15  }
0xcf: {  	v11 =	vadd.s32 v0, v17;
	[tilespmem:v4+s24+$0x0] =	vst.idx.msk $0xffff, v5  }
0xd0: {  	v4 =	vmul.f32 $8.000000000e+00, v7;
	v5 =	vld [tilespmem:s1+$0xFFFFFFE0]  }
0xd1: {  	v7 =	vmul.f32 $8.000000000e+00, v10  }
0xd2: {  	[tilespmem:v12+s24+$0x0] =	vst.idx.msk $0xffff, v4;
	v4 =	vmul.f32 $8.000000000e+00, v6;
	v6 =	vadd.s32 v1, v9  }
0xd3: {  	[tilespmem:v13+s24+$0x0] =	vst.idx.msk $0xffff, v7;
	v10 =	vld [tilespmem:s1+$0xFFFFFF20]  }
0xd4: {  	v7 =	vld [tilespmem:s1+$0xFFFFFF60];
	[tilespmem:v11+s24+$0x0] =	vst.idx.msk $0xffff, v4  }
0xd5: {  	v11 =	vld [tilespmem:s1+$0xFFFFFFA0];
	v4 =	vmul.f32 $8.000000000e+00, v5  }
0xd6: {  	s14 =	simm.s32 $0x4;
	s10 =	simm.s32 $0x7;
	s5 =	simm.s32 $0x85F0;
	v12 =	vadd.s32 v1, v15  }
0xd7: {  	v14 =	vld [tilespmem:s5+$0xFFFFFFD0];
	v13 =	vadd.s32 v1, v17;
	v5 =	vmov s14;
	[tilespmem:v6+s24+$0x0] =	vst.idx.msk $0xffff, v4;
	v6 =	vmov s10  }
0xd8: {  	v16 =	vadd.s32 v1, v8;
	v4 =	vand.u32 $0x7C, v5;
	v5 =	vand.u32 $0x7F, v6;
	v18 =	vld [tilespmem:s1+$0xFFFFFFF0]  }
0xd9: {  	v19 =	vld [tilespmem:s5+$0xFFFFFF10];
	v22 =	vadd.s32 v2, v9;
	s10 =	simm.s32 $0x5;
	v6 =	vmul.f32 $8.000000000e+00, v7;
	v20 =	vadd.s32 v0, v5  }
0xda: {  	s13 =	simm.s32 $0x6;
	v21 =	vld [tilespmem:s5+$0xFFFFFF50];
	v10 =	vmul.f32 $8.000000000e+00, v10;
	v7 =	vmul.f32 $8.000000000e+00, v11;
	v11 =	vmov s10  }
0xdb: {  	v23 =	vadd.s32 v0, v4;
	[tilespmem:v12+s24+$0x0] =	vst.idx.msk $0xffff, v6;
	v12 =	vmov s13;
	v6 =	vand.u32 $0x7D, v11;
	v11 =	vld [tilespmem:s5+$0xFFFFFF90]  }
0xdc: {  	[tilespmem:v13+s24+$0x0] =	vst.idx.msk $0xffff, v7;
	v13 =	vadd.s32 v0, v6;
	v7 =	vand.u32 $0x7E, v12;
	v12 =	vmul.f32 $8.000000000e+00, v14;
	v14 =	vld [tilespmem:s1+$0xFFFFFF70]  }
0xdd: {  	[tilespmem:v16+s24+$0x0] =	vst.idx.msk $0xffff, v10;
	v10 =	vadd.s32 v0, v7;
	v16 =	vld [tilespmem:s1+$0xFFFFFFB0];
	v18 =	vmul.f32 $8.000000000e+00, v18  }
0xde: {  	v19 =	vmul.f32 $8.000000000e+00, v19;
	[tilespmem:v20+s24+$0x0] =	vst.idx.msk $0xffff, v12;
	v12 =	vld [tilespmem:s1+$0xFFFFFF30];
	v20 =	vadd.s32 v2, v15  }
0xdf: {  	v25 =	vadd.s32 v2, v17;
	v21 =	vmul.f32 $8.000000000e+00, v21;
	v24 =	vld [tilespmem:s5+$0xFFFFFFE0];
	[tilespmem:v22+s24+$0x0] =	vst.idx.msk $0xffff, v18  }
0xe0: {  	[tilespmem:v23+s24+$0x0] =	vst.idx.msk $0xffff, v19;
	v19 =	vadd.s32 v2, v8;
	v11 =	vmul.f32 $8.000000000e+00, v11;
	v22 =	vld [tilespmem:s1+$0x0]  }
0xe1: {  	v23 =	vld [tilespmem:s5+$0xFFFFFF20];
	[tilespmem:v13+s24+$0x0] =	vst.idx.msk $0xffff, v21;
	v21 =	vadd.s32 v1, v5;
	v14 =	vmul.f32 $8.000000000e+00, v14  }
0xe2: {  	v27 =	vadd.s32 v3, v9;
	v26 =	vld [tilespmem:s5+$0xFFFFFF60];
	[tilespmem:v10+s24+$0x0] =	vst.idx.msk $0xffff, v11;
	v10 =	vmul.f32 $8.000000000e+00, v16  }
0xe3: {  	v18 =	vadd.s32 v1, v4;
	v13 =	vld [tilespmem:s5+$0xFFFFFFA0];
	v9 =	vmul.f32 $8.000000000e+00, v12;
	[tilespmem:v20+s24+$0x0] =	vst.idx.msk $0xffff, v14  }
0xe4: {  	s13 =	simm.s32 $0x8;
	v16 =	vadd.s32 v1, v6;
	[tilespmem:v25+s24+$0x0] =	vst.idx.msk $0xffff, v10;
	v14 =	vmul.f32 $8.000000000e+00, v24;
	v12 =	vld [tilespmem:s1+$0xFFFFFF80]  }
0xe5: {  	v20 =	vmov s13;
	v10 =	vadd.s32 v1, v7;
	v11 =	vld [tilespmem:s1+$0xFFFFFFC0];
	[tilespmem:v19+s24+$0x0] =	vst.idx.msk $0xffff, v9;
	v63 =	vmul.f32 $8.000000000e+00, v22  }
0xe6: {  	s14 =	simm.s32 $0xB;
	s10 =	simm.s32 $0x86F0;
	v15 =	vadd.s32 v3, v15;
	v9 =	vand.u32 $0x7C, v20;
	v20 =	vmul.f32 $8.000000000e+00, v23;
	[tilespmem:v21+s24+$0x0] =	vst.idx.msk $0xffff, v14;
	v14 =	vld [tilespmem:s1+$0xFFFFFF40]  }
0xe7: {  	v17 =	vadd.s32 v3, v17;
	v22 =	vmov s14;
	v19 =	vld [tilespmem:s10+$0xFFFFFFD0];
	s1 =	simm.s32 $0xC;
	v21 =	vmul.f32 $8.000000000e+00, v26;
	[tilespmem:v27+s24+$0x0] =	vst.idx.msk $0xffff, v63  }
.LBB2_11:
0xe8: {  	p2 =	slt.u32 s1, $0x7C;
	s0 =	sadd.s32 $0x1, s13;
	v22 =	vand.u32 $0x7F, v22;
	[tilespmem:v18+s24+$0x0] =	vst.idx.msk $0xffff, v20;
	v13 =	vmul.f32 $8.000000000e+00, v13;
	v18 =	vld [tilespmem:s5+$0xFFFFFFF0];
	v20 =	vadd.s32 v3, v8;
	v8 =	vmovc v4  }
0xe9: {  	v4 =	vmovc v9;
	v23 =	vld [tilespmem:s10+$0xFFFFFF10];
	v24 =	vmov s0;
	s0 =	sadd.s32 $0x2, s13;
	v25 =	vadd.s32 v0, v22;
	[tilespmem:v16+s24+$0x0] =	vst.idx.msk $0xffff, v21;
	v12 =	vmul.f32 $8.000000000e+00, v12;
	s13 =	smov.u32 s1  }
0xea: {  	v9 =	vld [tilespmem:s10+$0xFFFFFF50];
	v16 =	vmov s0;
	[tilespmem:v10+s24+$0x0] =	vst.idx.msk $0xffff, v13;
	v10 =	vadd.s32 v2, v5;
	v11 =	vmul.f32 $8.000000000e+00, v11  }
0xeb: {  	v13 =	vadd.s32 v0, v4;
	v21 =	vand.u32 $0x7D, v24;
	v24 =	vld [tilespmem:s10+$0xFFFFFF90];
	v14 =	vmul.f32 $8.000000000e+00, v14;
	[tilespmem:v15+s24+$0x0] =	vst.idx.msk $0xffff, v12  }
0xec: {  	v12 =	vadd.s32 v0, v21;
	v26 =	vand.u32 $0x7E, v16;
	v15 =	vmul.f32 $8.000000000e+00, v19;
	v16 =	vld [tilespmem:s5+$0xFFFFFF70];
	[tilespmem:v17+s24+$0x0] =	vst.idx.msk $0xffff, v11  }
0xed: {  	v11 =	vadd.s32 v0, v26;
	v17 =	vld [tilespmem:s5+$0xFFFFFFB0];
	v18 =	vmul.f32 $8.000000000e+00, v18;
	[tilespmem:v20+s24+$0x0] =	vst.idx.msk $0xffff, v14  }
0xee: {  	v19 =	vadd.s32 v2, v6;
	v14 =	vmul.f32 $8.000000000e+00, v23;
	[tilespmem:v25+s24+$0x0] =	vst.idx.msk $0xffff, v15;
	v15 =	vld [tilespmem:s5+$0xFFFFFF30]  }
0xef: {  	v23 =	vadd.s32 v2, v7;
	v9 =	vmul.f32 $8.000000000e+00, v9;
	v20 =	vld [tilespmem:s10+$0xFFFFFFE0];
	[tilespmem:v10+s24+$0x0] =	vst.idx.msk $0xffff, v18  }
0xf0: {  	[tilespmem:v13+s24+$0x0] =	vst.idx.msk $0xffff, v14;
	v10 =	vmul.f32 $8.000000000e+00, v24;
	v14 =	vadd.s32 v2, v8;
	v24 =	vld [tilespmem:s5+$0x0]  }
0xf1: {  	v27 =	vadd.s32 v1, v22;
	v25 =	vld [tilespmem:s10+$0xFFFFFF20];
	[tilespmem:v12+s24+$0x0] =	vst.idx.msk $0xffff, v9;
	v9 =	vmul.f32 $8.000000000e+00, v16  }
0xf2: {  	v29 =	vadd.s32 v3, v5;
	v5 =	vmov v22;
	v28 =	vld [tilespmem:s10+$0xFFFFFF60];
	[tilespmem:v11+s24+$0x0] =	vst.idx.msk $0xffff, v10;
	v10 =	vmul.f32 $8.000000000e+00, v17  }
.Ltmp7:
0xf3: {  	v18 =	vadd.s32 v1, v4;
	v13 =	vld [tilespmem:s10+$0xFFFFFFA0];
	v11 =	vmul.f32 $8.000000000e+00, v15;
	[tilespmem:v19+s24+$0x0] =	vst.idx.msk $0xffff, v9;
	(pc) =	sbr.rel @p2 .LBB2_11-.Ltmp7, $4  }
0xf4: {  	v16 =	vadd.s32 v1, v21;
	v15 =	vmul.f32 $8.000000000e+00, v20;
	v12 =	vld [tilespmem:s5+$0xFFFFFF80];
	[tilespmem:v23+s24+$0x0] =	vst.idx.msk $0xffff, v10  }
0xf5: {  	v9 =	vmov s1;
	v10 =	vadd.s32 v1, v26;
	[tilespmem:v14+s24+$0x0] =	vst.idx.msk $0xffff, v11;
	v11 =	vld [tilespmem:s5+$0xFFFFFFC0];
	v23 =	vmul.f32 $8.000000000e+00, v24  }
0xf6: {  	s0 =	sadd.s32 $0x3, s1;
	v9 =	vand.u32 $0x7C, v9;
	v20 =	vmul.f32 $8.000000000e+00, v25;
	[tilespmem:v27+s24+$0x0] =	vst.idx.msk $0xffff, v15;
	v14 =	vld [tilespmem:s5+$0xFFFFFF40];
	v15 =	vadd.s32 v3, v6;
	v6 =	vmovc v21;
	s5 =	smov.u32 s10;
	s10 =	sadd.s32 $0x100, s10  }
0xf7: {  	v22 =	vmov s0;
	v17 =	vadd.s32 v3, v7;
	v7 =	vmovc v26;
	s1 =	sadd.s32 $0x4, s1;
	v19 =	vld [tilespmem:s10+$0xFFFFFFD0];
	v21 =	vmul.f32 $8.000000000e+00, v28;
	[tilespmem:v29+s24+$0x0] =	vst.idx.msk $0xffff, v23  }
0xf8: {  	s0 =	sadd.s32 $0x1, s13;
	v22 =	vand.u32 $0x7F, v22;
	v28 =	vld [tilespmem:s10+$0xFFFFFF10]  }
0xf9: {  	s14 =	sadd.s32 $0x2, s13;
	v24 =	vld [tilespmem:s10+$0xFFFFFF50];
	v23 =	vmov s0;
	v25 =	vadd.s32 v0, v22  }
0xfa: {  	v27 =	vld [tilespmem:s10+$0xFFFFFF90];
	v51 =	vadd.s32 v0, v9;
	v26 =	vmov s14;
	v23 =	vand.u32 $0x7D, v23  }
0xfb: {  	v26 =	vand.u32 $0x7E, v26;
	v29 =	vadd.s32 v0, v23  }
0xfc: {  	[tilespmem:v18+s24+$0x0] =	vst.idx.msk $0xffff, v20;
	v30 =	vadd.s32 v0, v26;
	v19 =	vmul.f32 $8.000000000e+00, v19  }
0xfd: {  	[tilespmem:v16+s24+$0x0] =	vst.idx.msk $0xffff, v21;
	v54 =	vmul.f32 $8.000000000e+00, v28  }
0xfe: {  	v52 =	vmul.f32 $8.000000000e+00, v24;
	[tilespmem:v25+s24+$0x0] =	vst.idx.msk $0xffff, v19  }
0xff: {  	v53 =	vmul.f32 $8.000000000e+00, v27;
	v55 =	vld [tilespmem:s10+$0xFFFFFFE0];
	[tilespmem:v51+s24+$0x0] =	vst.idx.msk $0xffff, v54  }
0x100: {  	v13 =	vmul.f32 $8.000000000e+00, v13;
	v8 =	vadd.s32 v3, v8;
	[tilespmem:v29+s24+$0x0] =	vst.idx.msk $0xffff, v52;
	v59 =	vld [tilespmem:s10+$0xFFFFFF20]  }
0x101: {  	v12 =	vmul.f32 $8.000000000e+00, v12;
	v57 =	vadd.s32 v1, v22;
	[tilespmem:v30+s24+$0x0] =	vst.idx.msk $0xffff, v53;
	v56 =	vld [tilespmem:s10+$0xFFFFFF60]  }
0x102: {  	[tilespmem:v10+s24+$0x0] =	vst.idx.msk $0xffff, v13;
	v58 =	vmul.f32 $8.000000000e+00, v11;
	v28 =	vadd.s32 v1, v9;
	v19 =	vld [tilespmem:s10+$0xFFFFFFA0]  }
0x103: {  	v61 =	vld [tilespmem:s5+$0xFFFFFFF0];
	v60 =	vadd.s32 v1, v23;
	v14 =	vmul.f32 $8.000000000e+00, v14;
	[tilespmem:v15+s24+$0x0] =	vst.idx.msk $0xffff, v12  }
0x104: {  	v32 =	vld [tilespmem:s5+$0xFFFFFF30];
	v62 =	vadd.s32 v1, v26;
	[tilespmem:v17+s24+$0x0] =	vst.idx.msk $0xffff, v58;
	v16 =	vmul.f32 $8.000000000e+00, v55  }
0x105: {  	[tilespmem:v8+s24+$0x0] =	vst.idx.msk $0xffff, v14;
	v29 =	vadd.s32 v2, v5;
	v30 =	vld [tilespmem:s5+$0xFFFFFFB0];
	v11 =	vmul.f32 $8.000000000e+00, v59  }
0x106: {  	v38 =	vadd.s32 v2, v4;
	v63 =	vld [tilespmem:s5+$0xFFFFFF70];
	v31 =	vmul.f32 $8.000000000e+00, v56;
	[tilespmem:v57+s24+$0x0] =	vst.idx.msk $0xffff, v16  }
0x107: {  	v35 =	vadd.s32 v2, v7;
	v34 =	vmul.f32 $8.000000000e+00, v19;
	v36 =	vld [tilespmem:s10+$0xFFFFFFF0];
	[tilespmem:v28+s24+$0x0] =	vst.idx.msk $0xffff, v11  }
0x108: {  	v33 =	vadd.s32 v2, v6;
	v37 =	vmul.f32 $8.000000000e+00, v61;
	[tilespmem:v60+s24+$0x0] =	vst.idx.msk $0xffff, v31;
	v43 =	vld [tilespmem:s10+$0xFFFFFF30]  }
0x109: {  	v40 =	vadd.s32 v2, v22;
	v14 =	vmul.f32 $8.000000000e+00, v32;
	[tilespmem:v62+s24+$0x0] =	vst.idx.msk $0xffff, v34;
	v39 =	vld [tilespmem:s10+$0xFFFFFF70]  }
0x10a: {  	v48 =	vadd.s32 v2, v9;
	[tilespmem:v29+s24+$0x0] =	vst.idx.msk $0xffff, v37;
	v42 =	vmul.f32 $8.000000000e+00, v30;
	v41 =	vld [tilespmem:s10+$0xFFFFFFB0]  }
0x10b: {  	v44 =	vadd.s32 v2, v23;
	v15 =	vmul.f32 $8.000000000e+00, v63;
	[tilespmem:v38+s24+$0x0] =	vst.idx.msk $0xffff, v14;
	v45 =	vld [tilespmem:s5+$0x0]  }
0x10c: {  	v46 =	vadd.s32 v2, v26;
	v14 =	vld [tilespmem:s5+$0xFFFFFF40];
	[tilespmem:v35+s24+$0x0] =	vst.idx.msk $0xffff, v42;
	v47 =	vmul.f32 $8.000000000e+00, v36  }
0x10d: {  	v5 =	vadd.s32 v3, v5;
	[tilespmem:v33+s24+$0x0] =	vst.idx.msk $0xffff, v15;
	v49 =	vld [tilespmem:s5+$0xFFFFFFC0];
	v53 =	vmul.f32 $8.000000000e+00, v43  }
0x10e: {  	v4 =	vadd.s32 v3, v4;
	v21 =	vld [tilespmem:s5+$0xFFFFFF80];
	v12 =	vmul.f32 $8.000000000e+00, v39;
	[tilespmem:v40+s24+$0x0] =	vst.idx.msk $0xffff, v47  }
0x10f: {  	v52 =	vadd.s32 v3, v7;
	v51 =	vmul.f32 $8.000000000e+00, v41;
	v10 =	vld [tilespmem:s10+$0x0];
	[tilespmem:v48+s24+$0x0] =	vst.idx.msk $0xffff, v53  }
0x110: {  	v50 =	vadd.s32 v3, v6;
	v54 =	vmul.f32 $8.000000000e+00, v45;
	[tilespmem:v44+s24+$0x0] =	vst.idx.msk $0xffff, v12;
	v59 =	vld [tilespmem:s10+$0xFFFFFF40]  }
0x111: {  	v57 =	vadd.s32 v3, v22;
	v14 =	vmul.f32 $8.000000000e+00, v14;
	[tilespmem:v46+s24+$0x0] =	vst.idx.msk $0xffff, v51;
	v55 =	vld [tilespmem:s10+$0xFFFFFF80]  }
0x112: {  	v62 =	vadd.s32 v3, v9;
	[tilespmem:v5+s24+$0x0] =	vst.idx.msk $0xffff, v54;
	v5 =	vmul.f32 $8.000000000e+00, v49;
	v58 =	vld [tilespmem:s10+$0xFFFFFFC0]  }
0x113: {  	v56 =	vmul.f32 $8.000000000e+00, v21;
	v60 =	vadd.s32 v3, v23;
	[tilespmem:v4+s24+$0x0] =	vst.idx.msk $0xffff, v14  }
0x114: {  	v61 =	vadd.s32 v3, v26;
	[tilespmem:v52+s24+$0x0] =	vst.idx.msk $0xffff, v5;
	v5 =	vmul.f32 $8.000000000e+00, v10  }
0x115: {  	[tilespmem:v50+s24+$0x0] =	vst.idx.msk $0xffff, v56;
	v63 =	vmul.f32 $8.000000000e+00, v59  }
0x116: {  	v4 =	vmul.f32 $8.000000000e+00, v55;
	[tilespmem:v57+s24+$0x0] =	vst.idx.msk $0xffff, v5  }
0x117: {  	v5 =	vmul.f32 $8.000000000e+00, v58;
	[tilespmem:v62+s24+$0x0] =	vst.idx.msk $0xffff, v63  }
0x118: {  	[tilespmem:v60+s24+$0x0] =	vst.idx.msk $0xffff, v4  }
0x119: {  	s1 =	simm.s32 $0x10600;
	s5 =	sadd.s32 s18, s7;
	[tilespmem:v61+s24+$0x0] =	vst.idx.msk $0xffff, v5  }
0x11a: {  	[hbm4b:s5+s3] =	stream.linear.scatter [tilespmem:s1], [sflag:$0x6], $0x80, $0x38;
	[tilespmem:$0x16C00] =	vst v63  }
0x11b: {  	s10 =	simm.s32 $0x10688;
	s1 =	sadd.s32 $0x10, s5  }
0x11c: {  	[hbm4b:s1+s3] =	stream.linear.scatter [tilespmem:s10], [sflag:$0x6], $0x80, $0x38;
	[tilespmem:$0x16C00] =	vst v63  }
0x11d: {  	s13 =	simm.s32 $0x10710;
	s14 =	sadd.s32 $0x20, s5  }
0x11e: {  	[hbm4b:s14+s3] =	stream.linear.scatter [tilespmem:s13], [sflag:$0x6], $0x80, $0x38;
	[tilespmem:$0x16C00] =	vst v63  }
0x11f: {  	s1 =	simm.s32 $0x10798;
	s10 =	sadd.s32 $0x30, s5  }
0x120: {  	[hbm4b:s10+s3] =	stream.linear.scatter [tilespmem:s1], [sflag:$0x6], $0x80, $0x38;
	[tilespmem:$0x16C00] =	vst v63  }
0x121: {  	s13 =	simm.s32 $0x10820;
	s14 =	sadd.s32 $0x40, s5  }
0x122: {  	[hbm4b:s14+s3] =	stream.linear.scatter [tilespmem:s13], [sflag:$0x6], $0x80, $0x38;
	[tilespmem:$0x16C00] =	vst v63  }
0x123: {  	s0 =	sadd.s32 $0x70, s5;
	s1 =	simm.s32 $0x108A8;
	s10 =	sadd.s32 $0x50, s5  }
0x124: {  	[hbm4b:s10+s3] =	stream.linear.scatter [tilespmem:s1], [sflag:$0x6], $0x80, $0x38;
	[tilespmem:$0x16C00] =	vst v63  }
0x125: {  	s13 =	simm.s32 $0x10930;
	s14 =	sadd.s32 $0x60, s5;
	s5 =	sadd.s32 $0x1000, s5  }
0x126: {  	[hbm4b:s14+s3] =	stream.linear.scatter [tilespmem:s13], [sflag:$0x6], $0x80, $0x38;
	[tilespmem:$0x16C00] =	vst v63  }
0x127: {  	s1 =	simm.s32 $0x440;
	s10 =	simm.s32 $0x2200;
	s13 =	simm.s32 $0x109B8  }
.LBB2_13:
0x128: {  	[hbm4b:s0+s3] =	stream.linear.scatter [tilespmem:s13], [sflag:$0x6], $0x80, $0x38;
	[tilespmem:$0x16C00] =	vst v63  }
0x129: {  	s0 =	smov.u32 s1;
	s1 =	smov.u32 s10  }
0x12a: {  	s14 =	sadd.s32 $0x1100, s10;
	s1 =	sshra.s32 s1, $0x2;
	s13 =	sadd.s32 $0x10600, s0  }
0x12b: {  	[hbm4b:s5+s3] =	stream.linear.scatter [tilespmem:s13], [sflag:$0x6], $0x80, $0x38;
	[tilespmem:$0x16C00] =	vst v63  }
0x12c: {  	p2 =	sne.s32 s10, $0x7700;
	s10 =	sadd.s32 $0x10688, s0;
	s13 =	sadd.s32 $0x10, s5  }
0x12d: {  	[hbm4b:s13+s3] =	stream.linear.scatter [tilespmem:s10], [sflag:$0x6], $0x80, $0x38;
	[tilespmem:$0x16C00] =	vst v63  }
0x12e: {  	s10 =	sadd.s32 $0x10710, s0;
	s13 =	sadd.s32 $0x20, s5  }
0x12f: {  	[hbm4b:s13+s3] =	stream.linear.scatter [tilespmem:s10], [sflag:$0x6], $0x80, $0x38;
	[tilespmem:$0x16C00] =	vst v63  }
0x130: {  	s10 =	sadd.s32 $0x10798, s0;
	s13 =	sadd.s32 $0x30, s5  }
0x131: {  	[hbm4b:s13+s3] =	stream.linear.scatter [tilespmem:s10], [sflag:$0x6], $0x80, $0x38;
	[tilespmem:$0x16C00] =	vst v63  }
0x132: {  	s10 =	sadd.s32 $0x10820, s0;
	s13 =	sadd.s32 $0x40, s5  }
0x133: {  	[hbm4b:s13+s3] =	stream.linear.scatter [tilespmem:s10], [sflag:$0x6], $0x80, $0x38;
	[tilespmem:$0x16C00] =	vst v63  }
0x134: {  	s10 =	sadd.s32 $0x108A8, s0;
	s13 =	sadd.s32 $0x50, s5  }
0x135: {  	[hbm4b:s13+s3] =	stream.linear.scatter [tilespmem:s10], [sflag:$0x6], $0x80, $0x38;
	[tilespmem:$0x16C00] =	vst v63  }
.Ltmp8:
0x136: {  	_ = 	snop;
	(pc) =	sbr.rel @p2 .LBB2_13-.Ltmp8, $4  }
0x137: {  	s10 =	sadd.s32 $0x10930, s0;
	s13 =	sadd.s32 $0x60, s5  }
0x138: {  	[hbm4b:s13+s3] =	stream.linear.scatter [tilespmem:s10], [sflag:$0x6], $0x80, $0x38;
	[tilespmem:$0x16C00] =	vst v63  }
0x139: {  	s13 =	sadd.s32 $0x109B8, s0  }
0x13a: {  	s0 =	sadd.s32 $0x70, s5;
	s5 =	sadd.s32 $0x1000, s5;
	s10 =	smov.u32 s14  }
0x13b: {  	[hbm4b:s0+s3] =	stream.linear.scatter [tilespmem:s13], [sflag:$0x6], $0x80, $0x38;
	[tilespmem:$0x16C00] =	vst v63  }
0x13c: {  	s13 =	sadd.s32 $0x10600, s1  }
0x13d: {  	[hbm4b:s5+s3] =	stream.linear.scatter [tilespmem:s13], [sflag:$0x6], $0x80, $0x38;
	[tilespmem:$0x16C00] =	vst v63  }
0x13e: {  	s14 =	sadd.s32 $0x10688, s1;
	s10 =	sadd.s32 $0x10, s5  }
0x13f: {  	[hbm4b:s10+s3] =	stream.linear.scatter [tilespmem:s14], [sflag:$0x6], $0x80, $0x38;
	[tilespmem:$0x16C00] =	vst v63  }
0x140: {  	s13 =	sadd.s32 $0x10710, s1;
	s14 =	sadd.s32 $0x20, s5  }
0x141: {  	[hbm4b:s14+s3] =	stream.linear.scatter [tilespmem:s13], [sflag:$0x6], $0x80, $0x38;
	[tilespmem:$0x16C00] =	vst v63  }
0x142: {  	s13 =	sadd.s32 $0x10798, s1;
	s14 =	sadd.s32 $0x30, s5  }
0x143: {  	[hbm4b:s14+s3] =	stream.linear.scatter [tilespmem:s13], [sflag:$0x6], $0x80, $0x38;
	[tilespmem:$0x16C00] =	vst v63  }
0x144: {  	s13 =	sadd.s32 $0x10820, s1;
	s14 =	sadd.s32 $0x40, s5  }
0x145: {  	[hbm4b:s14+s3] =	stream.linear.scatter [tilespmem:s13], [sflag:$0x6], $0x80, $0x38;
	[tilespmem:$0x16C00] =	vst v63  }
0x146: {  	s13 =	sadd.s32 $0x108A8, s1;
	s14 =	sadd.s32 $0x50, s5  }
0x147: {  	[hbm4b:s14+s3] =	stream.linear.scatter [tilespmem:s13], [sflag:$0x6], $0x80, $0x38;
	[tilespmem:$0x16C00] =	vst v63  }
.Ltmp9:
0x148: {  	_ = 	snop;
	(pc) =	sbr.rel @p1 .LBB2_16-.Ltmp9, $4  }
0x149: {  	s13 =	sadd.s32 $0x10930, s1;
	s14 =	sadd.s32 $0x60, s5  }
0x14a: {  	[hbm4b:s14+s3] =	stream.linear.scatter [tilespmem:s13], [sflag:$0x6], $0x80, $0x38;
	[tilespmem:$0x16C00] =	vst v63  }
0x14b: {  	s13 =	sadd.s32 $0x109B8, s1;
	s14 =	sadd.s32 $0x70, s5  }
0x14c: {  	[hbm4b:s14+s3] =	stream.linear.scatter [tilespmem:s13], [sflag:$0x6], $0x80, $0x38;
	[tilespmem:$0x16C00] =	vst v63  }
.Ltmp10:
0x14d: {  	(pc) =	sbr.rel .LBB2_17-.Ltmp10, $4  }
0x14e: {  	_ = 	snop  }
0x14f: {  	_ =	swait.ge [sflag:s25], $0x2000  }
0x150: {  	[sflag:s25] =	ssyncset.done $0x0  }
0x151: {  	[sflag:s25] =	ssyncadd.s32 $0xFFFFE000  }
.LBB2_16:
0x152: {  	s0 =	sshrl.u32 s16, $0x2  }
.Ltmp11:
0x153: {  	s0 =	sadd.s32 $0x280, s0;
	(pc) =	sbr.rel @p0 .LBB2_18-.Ltmp11, $4  }
0x154: {  	[tilespmem:s15], [sflag:$0x2] =	stream.indirect.gather [hbm4b:s4+s11], $0x40, s0, s11, $0xb8;
	[tilespmem:$0x16C00] =	vst v63  }
0x155: {  	_ =	swait.ge [sflag:s25], $0x2000  }
0x156: {  	[sflag:s25] =	ssyncset.done $0x0  }
0x157: {  	[sflag:s25] =	ssyncadd.s32 $0xFFFFE000  }
.LBB2_17:
0x158: {  	_ =	swait.ge [sflag:s26], $0x2000  }
0x159: {  	[sflag:s26] =	ssyncset.done $0x0  }
0x15a: {  	[sflag:s26] =	ssyncadd.s32 $0xFFFFE000  }
.LBB2_18:
0x15b: {  	s1 =	simm.s32 $0xA4F0;
	s0 =	simm.s32 $0x3  }
0x15c: {  	v4 =	vmov s0;
	v5 =	vld [tilespmem:s1+$0xFFFFFFD0]  }
0x15d: {  	v9 =	vand.u32 $0x7F, v4  }
0x15e: {  	s10 =	simm.s32 $0x0;
	v4 =	vadd.s32 v0, v9  }
0x15f: {  	s13 =	simm.s32 $0x1;
	s5 =	simm.s32 $0x2;
	v6 =	vmov s10;
	v7 =	vld [tilespmem:s1+$0xFFFFFF10]  }
0x160: {  	v10 =	vld [tilespmem:s1+$0xFFFFFF50];
	v11 =	vmov s5;
	v8 =	vand.u32 $0x7C, v6;
	v6 =	vmov s13  }
0x161: {  	v12 =	vadd.s32 v0, v8;
	v15 =	vand.u32 $0x7D, v6;
	v6 =	vld [tilespmem:s1+$0xFFFFFF90];
	v5 =	vmul.f32 $8.000000000e+00, v5  }
0x162: {  	v17 =	vand.u32 $0x7E, v11;
	v13 =	vadd.s32 v0, v15  }
0x163: {  	v11 =	vadd.s32 v0, v17;
	[tilespmem:v4+s28+$0x0] =	vst.idx.msk $0xffff, v5  }
0x164: {  	v4 =	vmul.f32 $8.000000000e+00, v7;
	v5 =	vld [tilespmem:s1+$0xFFFFFFE0]  }
0x165: {  	v7 =	vmul.f32 $8.000000000e+00, v10  }
0x166: {  	[tilespmem:v12+s28+$0x0] =	vst.idx.msk $0xffff, v4;
	v4 =	vmul.f32 $8.000000000e+00, v6;
	v6 =	vadd.s32 v1, v9  }
0x167: {  	[tilespmem:v13+s28+$0x0] =	vst.idx.msk $0xffff, v7;
	v10 =	vld [tilespmem:s1+$0xFFFFFF20]  }
0x168: {  	v7 =	vld [tilespmem:s1+$0xFFFFFF60];
	[tilespmem:v11+s28+$0x0] =	vst.idx.msk $0xffff, v4  }
0x169: {  	v11 =	vld [tilespmem:s1+$0xFFFFFFA0];
	v4 =	vmul.f32 $8.000000000e+00, v5  }
0x16a: {  	s14 =	simm.s32 $0x4;
	s10 =	simm.s32 $0x7;
	s5 =	simm.s32 $0xA5F0;
	v12 =	vadd.s32 v1, v15  }
0x16b: {  	v14 =	vld [tilespmem:s5+$0xFFFFFFD0];
	v13 =	vadd.s32 v1, v17;
	v5 =	vmov s14;
	[tilespmem:v6+s28+$0x0] =	vst.idx.msk $0xffff, v4;
	v6 =	vmov s10  }
0x16c: {  	v16 =	vadd.s32 v1, v8;
	v4 =	vand.u32 $0x7C, v5;
	v5 =	vand.u32 $0x7F, v6;
	v18 =	vld [tilespmem:s1+$0xFFFFFFF0]  }
0x16d: {  	v19 =	vld [tilespmem:s5+$0xFFFFFF10];
	v22 =	vadd.s32 v2, v9;
	s10 =	simm.s32 $0x5;
	v6 =	vmul.f32 $8.000000000e+00, v7;
	v20 =	vadd.s32 v0, v5  }
0x16e: {  	s13 =	simm.s32 $0x6;
	v21 =	vld [tilespmem:s5+$0xFFFFFF50];
	v10 =	vmul.f32 $8.000000000e+00, v10;
	v7 =	vmul.f32 $8.000000000e+00, v11;
	v11 =	vmov s10  }
0x16f: {  	v23 =	vadd.s32 v0, v4;
	[tilespmem:v12+s28+$0x0] =	vst.idx.msk $0xffff, v6;
	v12 =	vmov s13;
	v6 =	vand.u32 $0x7D, v11;
	v11 =	vld [tilespmem:s5+$0xFFFFFF90]  }
0x170: {  	[tilespmem:v13+s28+$0x0] =	vst.idx.msk $0xffff, v7;
	v13 =	vadd.s32 v0, v6;
	v7 =	vand.u32 $0x7E, v12;
	v12 =	vmul.f32 $8.000000000e+00, v14;
	v14 =	vld [tilespmem:s1+$0xFFFFFF70]  }
0x171: {  	[tilespmem:v16+s28+$0x0] =	vst.idx.msk $0xffff, v10;
	v10 =	vadd.s32 v0, v7;
	v16 =	vld [tilespmem:s1+$0xFFFFFFB0];
	v18 =	vmul.f32 $8.000000000e+00, v18  }
0x172: {  	v19 =	vmul.f32 $8.000000000e+00, v19;
	[tilespmem:v20+s28+$0x0] =	vst.idx.msk $0xffff, v12;
	v12 =	vld [tilespmem:s1+$0xFFFFFF30];
	v20 =	vadd.s32 v2, v15  }
0x173: {  	v25 =	vadd.s32 v2, v17;
	v21 =	vmul.f32 $8.000000000e+00, v21;
	v24 =	vld [tilespmem:s5+$0xFFFFFFE0];
	[tilespmem:v22+s28+$0x0] =	vst.idx.msk $0xffff, v18  }
0x174: {  	[tilespmem:v23+s28+$0x0] =	vst.idx.msk $0xffff, v19;
	v19 =	vadd.s32 v2, v8;
	v11 =	vmul.f32 $8.000000000e+00, v11;
	v22 =	vld [tilespmem:s1+$0x0]  }
0x175: {  	v23 =	vld [tilespmem:s5+$0xFFFFFF20];
	[tilespmem:v13+s28+$0x0] =	vst.idx.msk $0xffff, v21;
	v21 =	vadd.s32 v1, v5;
	v14 =	vmul.f32 $8.000000000e+00, v14  }
0x176: {  	v27 =	vadd.s32 v3, v9;
	v26 =	vld [tilespmem:s5+$0xFFFFFF60];
	[tilespmem:v10+s28+$0x0] =	vst.idx.msk $0xffff, v11;
	v10 =	vmul.f32 $8.000000000e+00, v16  }
0x177: {  	v18 =	vadd.s32 v1, v4;
	v13 =	vld [tilespmem:s5+$0xFFFFFFA0];
	v9 =	vmul.f32 $8.000000000e+00, v12;
	[tilespmem:v20+s28+$0x0] =	vst.idx.msk $0xffff, v14  }
0x178: {  	s13 =	simm.s32 $0x8;
	v16 =	vadd.s32 v1, v6;
	[tilespmem:v25+s28+$0x0] =	vst.idx.msk $0xffff, v10;
	v14 =	vmul.f32 $8.000000000e+00, v24;
	v12 =	vld [tilespmem:s1+$0xFFFFFF80]  }
0x179: {  	v20 =	vmov s13;
	v10 =	vadd.s32 v1, v7;
	v11 =	vld [tilespmem:s1+$0xFFFFFFC0];
	[tilespmem:v19+s28+$0x0] =	vst.idx.msk $0xffff, v9;
	v63 =	vmul.f32 $8.000000000e+00, v22  }
0x17a: {  	s14 =	simm.s32 $0xB;
	s10 =	simm.s32 $0xA6F0;
	v15 =	vadd.s32 v3, v15;
	v9 =	vand.u32 $0x7C, v20;
	v20 =	vmul.f32 $8.000000000e+00, v23;
	[tilespmem:v21+s28+$0x0] =	vst.idx.msk $0xffff, v14;
	v14 =	vld [tilespmem:s1+$0xFFFFFF40]  }
0x17b: {  	v17 =	vadd.s32 v3, v17;
	v22 =	vmov s14;
	v19 =	vld [tilespmem:s10+$0xFFFFFFD0];
	s1 =	simm.s32 $0xC;
	v21 =	vmul.f32 $8.000000000e+00, v26;
	[tilespmem:v27+s28+$0x0] =	vst.idx.msk $0xffff, v63  }
.LBB2_19:
0x17c: {  	p2 =	slt.u32 s1, $0x7C;
	s0 =	sadd.s32 $0x1, s13;
	v22 =	vand.u32 $0x7F, v22;
	[tilespmem:v18+s28+$0x0] =	vst.idx.msk $0xffff, v20;
	v13 =	vmul.f32 $8.000000000e+00, v13;
	v18 =	vld [tilespmem:s5+$0xFFFFFFF0];
	v20 =	vadd.s32 v3, v8;
	v8 =	vmovc v4  }
0x17d: {  	v4 =	vmovc v9;
	v23 =	vld [tilespmem:s10+$0xFFFFFF10];
	v24 =	vmov s0;
	s0 =	sadd.s32 $0x2, s13;
	v25 =	vadd.s32 v0, v22;
	[tilespmem:v16+s28+$0x0] =	vst.idx.msk $0xffff, v21;
	v12 =	vmul.f32 $8.000000000e+00, v12;
	s13 =	smov.u32 s1  }
0x17e: {  	v9 =	vld [tilespmem:s10+$0xFFFFFF50];
	v16 =	vmov s0;
	[tilespmem:v10+s28+$0x0] =	vst.idx.msk $0xffff, v13;
	v10 =	vadd.s32 v2, v5;
	v11 =	vmul.f32 $8.000000000e+00, v11  }
0x17f: {  	v13 =	vadd.s32 v0, v4;
	v21 =	vand.u32 $0x7D, v24;
	v24 =	vld [tilespmem:s10+$0xFFFFFF90];
	v14 =	vmul.f32 $8.000000000e+00, v14;
	[tilespmem:v15+s28+$0x0] =	vst.idx.msk $0xffff, v12  }
0x180: {  	v12 =	vadd.s32 v0, v21;
	v26 =	vand.u32 $0x7E, v16;
	v15 =	vmul.f32 $8.000000000e+00, v19;
	v16 =	vld [tilespmem:s5+$0xFFFFFF70];
	[tilespmem:v17+s28+$0x0] =	vst.idx.msk $0xffff, v11  }
0x181: {  	v11 =	vadd.s32 v0, v26;
	v17 =	vld [tilespmem:s5+$0xFFFFFFB0];
	v18 =	vmul.f32 $8.000000000e+00, v18;
	[tilespmem:v20+s28+$0x0] =	vst.idx.msk $0xffff, v14  }
0x182: {  	v19 =	vadd.s32 v2, v6;
	v14 =	vmul.f32 $8.000000000e+00, v23;
	[tilespmem:v25+s28+$0x0] =	vst.idx.msk $0xffff, v15;
	v15 =	vld [tilespmem:s5+$0xFFFFFF30]  }
0x183: {  	v23 =	vadd.s32 v2, v7;
	v9 =	vmul.f32 $8.000000000e+00, v9;
	v20 =	vld [tilespmem:s10+$0xFFFFFFE0];
	[tilespmem:v10+s28+$0x0] =	vst.idx.msk $0xffff, v18  }
0x184: {  	[tilespmem:v13+s28+$0x0] =	vst.idx.msk $0xffff, v14;
	v10 =	vmul.f32 $8.000000000e+00, v24;
	v14 =	vadd.s32 v2, v8;
	v24 =	vld [tilespmem:s5+$0x0]  }
0x185: {  	v27 =	vadd.s32 v1, v22;
	v25 =	vld [tilespmem:s10+$0xFFFFFF20];
	[tilespmem:v12+s28+$0x0] =	vst.idx.msk $0xffff, v9;
	v9 =	vmul.f32 $8.000000000e+00, v16  }
0x186: {  	v29 =	vadd.s32 v3, v5;
	v5 =	vmov v22;
	v28 =	vld [tilespmem:s10+$0xFFFFFF60];
	[tilespmem:v11+s28+$0x0] =	vst.idx.msk $0xffff, v10;
	v10 =	vmul.f32 $8.000000000e+00, v17  }
.Ltmp12:
0x187: {  	v18 =	vadd.s32 v1, v4;
	v13 =	vld [tilespmem:s10+$0xFFFFFFA0];
	v11 =	vmul.f32 $8.000000000e+00, v15;
	[tilespmem:v19+s28+$0x0] =	vst.idx.msk $0xffff, v9;
	(pc) =	sbr.rel @p2 .LBB2_19-.Ltmp12, $4  }
0x188: {  	v16 =	vadd.s32 v1, v21;
	v15 =	vmul.f32 $8.000000000e+00, v20;
	v12 =	vld [tilespmem:s5+$0xFFFFFF80];
	[tilespmem:v23+s28+$0x0] =	vst.idx.msk $0xffff, v10  }
0x189: {  	v9 =	vmov s1;
	v10 =	vadd.s32 v1, v26;
	[tilespmem:v14+s28+$0x0] =	vst.idx.msk $0xffff, v11;
	v11 =	vld [tilespmem:s5+$0xFFFFFFC0];
	v23 =	vmul.f32 $8.000000000e+00, v24  }
0x18a: {  	s0 =	sadd.s32 $0x3, s1;
	v9 =	vand.u32 $0x7C, v9;
	v20 =	vmul.f32 $8.000000000e+00, v25;
	[tilespmem:v27+s28+$0x0] =	vst.idx.msk $0xffff, v15;
	v14 =	vld [tilespmem:s5+$0xFFFFFF40];
	v15 =	vadd.s32 v3, v6;
	v6 =	vmovc v21;
	s5 =	smov.u32 s10;
	s10 =	sadd.s32 $0x100, s10  }
0x18b: {  	v22 =	vmov s0;
	v17 =	vadd.s32 v3, v7;
	v7 =	vmovc v26;
	s1 =	sadd.s32 $0x4, s1;
	v19 =	vld [tilespmem:s10+$0xFFFFFFD0];
	v21 =	vmul.f32 $8.000000000e+00, v28;
	[tilespmem:v29+s28+$0x0] =	vst.idx.msk $0xffff, v23  }
0x18c: {  	s0 =	sadd.s32 $0x1, s13;
	v22 =	vand.u32 $0x7F, v22;
	v28 =	vld [tilespmem:s10+$0xFFFFFF10]  }
0x18d: {  	s14 =	sadd.s32 $0x2, s13;
	v24 =	vld [tilespmem:s10+$0xFFFFFF50];
	v23 =	vmov s0;
	v25 =	vadd.s32 v0, v22  }
0x18e: {  	v27 =	vld [tilespmem:s10+$0xFFFFFF90];
	v51 =	vadd.s32 v0, v9;
	v26 =	vmov s14;
	v23 =	vand.u32 $0x7D, v23  }
0x18f: {  	v26 =	vand.u32 $0x7E, v26;
	v29 =	vadd.s32 v0, v23  }
0x190: {  	[tilespmem:v18+s28+$0x0] =	vst.idx.msk $0xffff, v20;
	v30 =	vadd.s32 v0, v26;
	v19 =	vmul.f32 $8.000000000e+00, v19  }
0x191: {  	[tilespmem:v16+s28+$0x0] =	vst.idx.msk $0xffff, v21;
	v54 =	vmul.f32 $8.000000000e+00, v28  }
0x192: {  	v52 =	vmul.f32 $8.000000000e+00, v24;
	[tilespmem:v25+s28+$0x0] =	vst.idx.msk $0xffff, v19  }
0x193: {  	v53 =	vmul.f32 $8.000000000e+00, v27;
	v55 =	vld [tilespmem:s10+$0xFFFFFFE0];
	[tilespmem:v51+s28+$0x0] =	vst.idx.msk $0xffff, v54  }
0x194: {  	v13 =	vmul.f32 $8.000000000e+00, v13;
	v8 =	vadd.s32 v3, v8;
	[tilespmem:v29+s28+$0x0] =	vst.idx.msk $0xffff, v52;
	v59 =	vld [tilespmem:s10+$0xFFFFFF20]  }
0x195: {  	v12 =	vmul.f32 $8.000000000e+00, v12;
	v57 =	vadd.s32 v1, v22;
	[tilespmem:v30+s28+$0x0] =	vst.idx.msk $0xffff, v53;
	v56 =	vld [tilespmem:s10+$0xFFFFFF60]  }
0x196: {  	[tilespmem:v10+s28+$0x0] =	vst.idx.msk $0xffff, v13;
	v58 =	vmul.f32 $8.000000000e+00, v11;
	v28 =	vadd.s32 v1, v9;
	v19 =	vld [tilespmem:s10+$0xFFFFFFA0]  }
0x197: {  	v61 =	vld [tilespmem:s5+$0xFFFFFFF0];
	v60 =	vadd.s32 v1, v23;
	v14 =	vmul.f32 $8.000000000e+00, v14;
	[tilespmem:v15+s28+$0x0] =	vst.idx.msk $0xffff, v12  }
0x198: {  	v32 =	vld [tilespmem:s5+$0xFFFFFF30];
	v62 =	vadd.s32 v1, v26;
	[tilespmem:v17+s28+$0x0] =	vst.idx.msk $0xffff, v58;
	v16 =	vmul.f32 $8.000000000e+00, v55  }
0x199: {  	[tilespmem:v8+s28+$0x0] =	vst.idx.msk $0xffff, v14;
	v29 =	vadd.s32 v2, v5;
	v30 =	vld [tilespmem:s5+$0xFFFFFFB0];
	v11 =	vmul.f32 $8.000000000e+00, v59  }
0x19a: {  	v38 =	vadd.s32 v2, v4;
	v63 =	vld [tilespmem:s5+$0xFFFFFF70];
	v31 =	vmul.f32 $8.000000000e+00, v56;
	[tilespmem:v57+s28+$0x0] =	vst.idx.msk $0xffff, v16  }
0x19b: {  	v35 =	vadd.s32 v2, v7;
	v34 =	vmul.f32 $8.000000000e+00, v19;
	v36 =	vld [tilespmem:s10+$0xFFFFFFF0];
	[tilespmem:v28+s28+$0x0] =	vst.idx.msk $0xffff, v11  }
0x19c: {  	v33 =	vadd.s32 v2, v6;
	v37 =	vmul.f32 $8.000000000e+00, v61;
	[tilespmem:v60+s28+$0x0] =	vst.idx.msk $0xffff, v31;
	v43 =	vld [tilespmem:s10+$0xFFFFFF30]  }
0x19d: {  	v40 =	vadd.s32 v2, v22;
	v14 =	vmul.f32 $8.000000000e+00, v32;
	[tilespmem:v62+s28+$0x0] =	vst.idx.msk $0xffff, v34;
	v39 =	vld [tilespmem:s10+$0xFFFFFF70]  }
0x19e: {  	v48 =	vadd.s32 v2, v9;
	[tilespmem:v29+s28+$0x0] =	vst.idx.msk $0xffff, v37;
	v42 =	vmul.f32 $8.000000000e+00, v30;
	v41 =	vld [tilespmem:s10+$0xFFFFFFB0]  }
0x19f: {  	v44 =	vadd.s32 v2, v23;
	v15 =	vmul.f32 $8.000000000e+00, v63;
	[tilespmem:v38+s28+$0x0] =	vst.idx.msk $0xffff, v14;
	v45 =	vld [tilespmem:s5+$0x0]  }
0x1a0: {  	v46 =	vadd.s32 v2, v26;
	v14 =	vld [tilespmem:s5+$0xFFFFFF40];
	[tilespmem:v35+s28+$0x0] =	vst.idx.msk $0xffff, v42;
	v47 =	vmul.f32 $8.000000000e+00, v36  }
0x1a1: {  	v5 =	vadd.s32 v3, v5;
	[tilespmem:v33+s28+$0x0] =	vst.idx.msk $0xffff, v15;
	v49 =	vld [tilespmem:s5+$0xFFFFFFC0];
	v53 =	vmul.f32 $8.000000000e+00, v43  }
0x1a2: {  	v4 =	vadd.s32 v3, v4;
	v21 =	vld [tilespmem:s5+$0xFFFFFF80];
	v12 =	vmul.f32 $8.000000000e+00, v39;
	[tilespmem:v40+s28+$0x0] =	vst.idx.msk $0xffff, v47  }
0x1a3: {  	v52 =	vadd.s32 v3, v7;
	v51 =	vmul.f32 $8.000000000e+00, v41;
	v10 =	vld [tilespmem:s10+$0x0];
	[tilespmem:v48+s28+$0x0] =	vst.idx.msk $0xffff, v53  }
0x1a4: {  	v50 =	vadd.s32 v3, v6;
	v54 =	vmul.f32 $8.000000000e+00, v45;
	[tilespmem:v44+s28+$0x0] =	vst.idx.msk $0xffff, v12;
	v59 =	vld [tilespmem:s10+$0xFFFFFF40]  }
0x1a5: {  	v57 =	vadd.s32 v3, v22;
	v14 =	vmul.f32 $8.000000000e+00, v14;
	[tilespmem:v46+s28+$0x0] =	vst.idx.msk $0xffff, v51;
	v55 =	vld [tilespmem:s10+$0xFFFFFF80]  }
0x1a6: {  	v62 =	vadd.s32 v3, v9;
	[tilespmem:v5+s28+$0x0] =	vst.idx.msk $0xffff, v54;
	v5 =	vmul.f32 $8.000000000e+00, v49;
	v58 =	vld [tilespmem:s10+$0xFFFFFFC0]  }
0x1a7: {  	v56 =	vmul.f32 $8.000000000e+00, v21;
	v60 =	vadd.s32 v3, v23;
	[tilespmem:v4+s28+$0x0] =	vst.idx.msk $0xffff, v14  }
0x1a8: {  	v61 =	vadd.s32 v3, v26;
	[tilespmem:v52+s28+$0x0] =	vst.idx.msk $0xffff, v5;
	v5 =	vmul.f32 $8.000000000e+00, v10  }
0x1a9: {  	[tilespmem:v50+s28+$0x0] =	vst.idx.msk $0xffff, v56;
	v63 =	vmul.f32 $8.000000000e+00, v59  }
0x1aa: {  	v4 =	vmul.f32 $8.000000000e+00, v55;
	[tilespmem:v57+s28+$0x0] =	vst.idx.msk $0xffff, v5  }
0x1ab: {  	v5 =	vmul.f32 $8.000000000e+00, v58;
	[tilespmem:v62+s28+$0x0] =	vst.idx.msk $0xffff, v63  }
0x1ac: {  	[tilespmem:v60+s28+$0x0] =	vst.idx.msk $0xffff, v4  }
0x1ad: {  	s1 =	simm.s32 $0x12800;
	s5 =	sadd.s32 s18, s8;
	[tilespmem:v61+s28+$0x0] =	vst.idx.msk $0xffff, v5  }
0x1ae: {  	[hbm4b:s5+s3] =	stream.linear.scatter [tilespmem:s1], [sflag:$0x7], $0x80, $0x38;
	[tilespmem:$0x16C00] =	vst v63  }
0x1af: {  	s10 =	simm.s32 $0x12888;
	s1 =	sadd.s32 $0x10, s5  }
0x1b0: {  	[hbm4b:s1+s3] =	stream.linear.scatter [tilespmem:s10], [sflag:$0x7], $0x80, $0x38;
	[tilespmem:$0x16C00] =	vst v63  }
0x1b1: {  	s13 =	simm.s32 $0x12910;
	s14 =	sadd.s32 $0x20, s5  }
0x1b2: {  	[hbm4b:s14+s3] =	stream.linear.scatter [tilespmem:s13], [sflag:$0x7], $0x80, $0x38;
	[tilespmem:$0x16C00] =	vst v63  }
0x1b3: {  	s1 =	simm.s32 $0x12998;
	s10 =	sadd.s32 $0x30, s5  }
0x1b4: {  	[hbm4b:s10+s3] =	stream.linear.scatter [tilespmem:s1], [sflag:$0x7], $0x80, $0x38;
	[tilespmem:$0x16C00] =	vst v63  }
0x1b5: {  	s13 =	simm.s32 $0x12A20;
	s14 =	sadd.s32 $0x40, s5  }
0x1b6: {  	[hbm4b:s14+s3] =	stream.linear.scatter [tilespmem:s13], [sflag:$0x7], $0x80, $0x38;
	[tilespmem:$0x16C00] =	vst v63  }
0x1b7: {  	s0 =	sadd.s32 $0x70, s5;
	s1 =	simm.s32 $0x12AA8;
	s10 =	sadd.s32 $0x50, s5  }
0x1b8: {  	[hbm4b:s10+s3] =	stream.linear.scatter [tilespmem:s1], [sflag:$0x7], $0x80, $0x38;
	[tilespmem:$0x16C00] =	vst v63  }
0x1b9: {  	s13 =	simm.s32 $0x12B30;
	s14 =	sadd.s32 $0x60, s5;
	s5 =	sadd.s32 $0x1000, s5  }
0x1ba: {  	[hbm4b:s14+s3] =	stream.linear.scatter [tilespmem:s13], [sflag:$0x7], $0x80, $0x38;
	[tilespmem:$0x16C00] =	vst v63  }
0x1bb: {  	s1 =	simm.s32 $0x440;
	s10 =	simm.s32 $0x2200;
	s13 =	simm.s32 $0x12BB8  }
.LBB2_21:
0x1bc: {  	[hbm4b:s0+s3] =	stream.linear.scatter [tilespmem:s13], [sflag:$0x7], $0x80, $0x38;
	[tilespmem:$0x16C00] =	vst v63  }
0x1bd: {  	s0 =	smov.u32 s1;
	s1 =	smov.u32 s10  }
0x1be: {  	s14 =	sadd.s32 $0x1100, s10;
	s1 =	sshra.s32 s1, $0x2;
	s13 =	sadd.s32 $0x12800, s0  }
0x1bf: {  	[hbm4b:s5+s3] =	stream.linear.scatter [tilespmem:s13], [sflag:$0x7], $0x80, $0x38;
	[tilespmem:$0x16C00] =	vst v63  }
0x1c0: {  	p2 =	sne.s32 s10, $0x7700;
	s10 =	sadd.s32 $0x12888, s0;
	s13 =	sadd.s32 $0x10, s5  }
0x1c1: {  	[hbm4b:s13+s3] =	stream.linear.scatter [tilespmem:s10], [sflag:$0x7], $0x80, $0x38;
	[tilespmem:$0x16C00] =	vst v63  }
0x1c2: {  	s10 =	sadd.s32 $0x12910, s0;
	s13 =	sadd.s32 $0x20, s5  }
0x1c3: {  	[hbm4b:s13+s3] =	stream.linear.scatter [tilespmem:s10], [sflag:$0x7], $0x80, $0x38;
	[tilespmem:$0x16C00] =	vst v63  }
0x1c4: {  	s10 =	sadd.s32 $0x12998, s0;
	s13 =	sadd.s32 $0x30, s5  }
0x1c5: {  	[hbm4b:s13+s3] =	stream.linear.scatter [tilespmem:s10], [sflag:$0x7], $0x80, $0x38;
	[tilespmem:$0x16C00] =	vst v63  }
0x1c6: {  	s10 =	sadd.s32 $0x12A20, s0;
	s13 =	sadd.s32 $0x40, s5  }
0x1c7: {  	[hbm4b:s13+s3] =	stream.linear.scatter [tilespmem:s10], [sflag:$0x7], $0x80, $0x38;
	[tilespmem:$0x16C00] =	vst v63  }
0x1c8: {  	s10 =	sadd.s32 $0x12AA8, s0;
	s13 =	sadd.s32 $0x50, s5  }
0x1c9: {  	[hbm4b:s13+s3] =	stream.linear.scatter [tilespmem:s10], [sflag:$0x7], $0x80, $0x38;
	[tilespmem:$0x16C00] =	vst v63  }
.Ltmp13:
0x1ca: {  	_ = 	snop;
	(pc) =	sbr.rel @p2 .LBB2_21-.Ltmp13, $4  }
0x1cb: {  	s10 =	sadd.s32 $0x12B30, s0;
	s13 =	sadd.s32 $0x60, s5  }
0x1cc: {  	[hbm4b:s13+s3] =	stream.linear.scatter [tilespmem:s10], [sflag:$0x7], $0x80, $0x38;
	[tilespmem:$0x16C00] =	vst v63  }
0x1cd: {  	s13 =	sadd.s32 $0x12BB8, s0  }
0x1ce: {  	s0 =	sadd.s32 $0x70, s5;
	s5 =	sadd.s32 $0x1000, s5;
	s10 =	smov.u32 s14  }
0x1cf: {  	[hbm4b:s0+s3] =	stream.linear.scatter [tilespmem:s13], [sflag:$0x7], $0x80, $0x38;
	[tilespmem:$0x16C00] =	vst v63  }
0x1d0: {  	s13 =	sadd.s32 $0x12800, s1  }
0x1d1: {  	[hbm4b:s5+s3] =	stream.linear.scatter [tilespmem:s13], [sflag:$0x7], $0x80, $0x38;
	[tilespmem:$0x16C00] =	vst v63  }
0x1d2: {  	s14 =	sadd.s32 $0x12888, s1;
	s10 =	sadd.s32 $0x10, s5  }
0x1d3: {  	[hbm4b:s10+s3] =	stream.linear.scatter [tilespmem:s14], [sflag:$0x7], $0x80, $0x38;
	[tilespmem:$0x16C00] =	vst v63  }
0x1d4: {  	s13 =	sadd.s32 $0x12910, s1;
	s14 =	sadd.s32 $0x20, s5  }
0x1d5: {  	[hbm4b:s14+s3] =	stream.linear.scatter [tilespmem:s13], [sflag:$0x7], $0x80, $0x38;
	[tilespmem:$0x16C00] =	vst v63  }
0x1d6: {  	s13 =	sadd.s32 $0x12998, s1;
	s14 =	sadd.s32 $0x30, s5  }
0x1d7: {  	[hbm4b:s14+s3] =	stream.linear.scatter [tilespmem:s13], [sflag:$0x7], $0x80, $0x38;
	[tilespmem:$0x16C00] =	vst v63  }
0x1d8: {  	s13 =	sadd.s32 $0x12A20, s1;
	s14 =	sadd.s32 $0x40, s5  }
0x1d9: {  	[hbm4b:s14+s3] =	stream.linear.scatter [tilespmem:s13], [sflag:$0x7], $0x80, $0x38;
	[tilespmem:$0x16C00] =	vst v63  }
0x1da: {  	s13 =	sadd.s32 $0x12AA8, s1;
	s14 =	sadd.s32 $0x50, s5  }
0x1db: {  	[hbm4b:s14+s3] =	stream.linear.scatter [tilespmem:s13], [sflag:$0x7], $0x80, $0x38;
	[tilespmem:$0x16C00] =	vst v63  }
.Ltmp14:
0x1dc: {  	_ = 	snop;
	(pc) =	sbr.rel @p1 .LBB2_24-.Ltmp14, $4  }
0x1dd: {  	s13 =	sadd.s32 $0x12B30, s1;
	s14 =	sadd.s32 $0x60, s5  }
0x1de: {  	[hbm4b:s14+s3] =	stream.linear.scatter [tilespmem:s13], [sflag:$0x7], $0x80, $0x38;
	[tilespmem:$0x16C00] =	vst v63  }
0x1df: {  	s13 =	sadd.s32 $0x12BB8, s1;
	s14 =	sadd.s32 $0x70, s5  }
0x1e0: {  	[hbm4b:s14+s3] =	stream.linear.scatter [tilespmem:s13], [sflag:$0x7], $0x80, $0x38;
	[tilespmem:$0x16C00] =	vst v63  }
.Ltmp15:
0x1e1: {  	(pc) =	sbr.rel .LBB2_25-.Ltmp15, $4  }
0x1e2: {  	_ = 	snop  }
0x1e3: {  	_ =	swait.ge [sflag:s29], $0x2000  }
0x1e4: {  	[sflag:s29] =	ssyncset.done $0x0  }
0x1e5: {  	[sflag:s29] =	ssyncadd.s32 $0xFFFFE000  }
.LBB2_24:
0x1e6: {  	s0 =	sshrl.u32 s16, $0x2  }
.Ltmp16:
0x1e7: {  	s0 =	sadd.s32 $0x300, s0;
	(pc) =	sbr.rel @p0 .LBB2_26-.Ltmp16, $4  }
0x1e8: {  	[tilespmem:s17], [sflag:$0x3] =	stream.indirect.gather [hbm4b:s4+s11], $0x40, s0, s11, $0xb8;
	[tilespmem:$0x16C00] =	vst v63  }
0x1e9: {  	_ =	swait.ge [sflag:s29], $0x2000  }
0x1ea: {  	[sflag:s29] =	ssyncset.done $0x0  }
0x1eb: {  	[sflag:s29] =	ssyncadd.s32 $0xFFFFE000  }
.LBB2_25:
0x1ec: {  	_ =	swait.ge [sflag:s30], $0x2000  }
0x1ed: {  	[sflag:s30] =	ssyncset.done $0x0  }
0x1ee: {  	[sflag:s30] =	ssyncadd.s32 $0xFFFFE000  }
.LBB2_26:
0x1ef: {  	s1 =	simm.s32 $0xC4F0;
	s0 =	simm.s32 $0x3  }
0x1f0: {  	v4 =	vmov s0;
	v5 =	vld [tilespmem:s1+$0xFFFFFFD0]  }
0x1f1: {  	v9 =	vand.u32 $0x7F, v4  }
0x1f2: {  	s10 =	simm.s32 $0x0;
	v4 =	vadd.s32 v0, v9  }
0x1f3: {  	s13 =	simm.s32 $0x1;
	s5 =	simm.s32 $0x2;
	v6 =	vmov s10;
	v7 =	vld [tilespmem:s1+$0xFFFFFF10]  }
0x1f4: {  	v10 =	vld [tilespmem:s1+$0xFFFFFF50];
	v11 =	vmov s5;
	v8 =	vand.u32 $0x7C, v6;
	v6 =	vmov s13  }
0x1f5: {  	v12 =	vadd.s32 v0, v8;
	v15 =	vand.u32 $0x7D, v6;
	v6 =	vld [tilespmem:s1+$0xFFFFFF90];
	v5 =	vmul.f32 $8.000000000e+00, v5  }
0x1f6: {  	v17 =	vand.u32 $0x7E, v11;
	v13 =	vadd.s32 v0, v15  }
0x1f7: {  	v11 =	vadd.s32 v0, v17;
	[tilespmem:v4+s31+$0x0] =	vst.idx.msk $0xffff, v5  }
0x1f8: {  	v4 =	vmul.f32 $8.000000000e+00, v7;
	v5 =	vld [tilespmem:s1+$0xFFFFFFE0]  }
0x1f9: {  	v7 =	vmul.f32 $8.000000000e+00, v10  }
0x1fa: {  	[tilespmem:v12+s31+$0x0] =	vst.idx.msk $0xffff, v4;
	v4 =	vmul.f32 $8.000000000e+00, v6;
	v6 =	vadd.s32 v1, v9  }
0x1fb: {  	[tilespmem:v13+s31+$0x0] =	vst.idx.msk $0xffff, v7;
	v10 =	vld [tilespmem:s1+$0xFFFFFF20]  }
0x1fc: {  	v7 =	vld [tilespmem:s1+$0xFFFFFF60];
	[tilespmem:v11+s31+$0x0] =	vst.idx.msk $0xffff, v4  }
0x1fd: {  	v11 =	vld [tilespmem:s1+$0xFFFFFFA0];
	v4 =	vmul.f32 $8.000000000e+00, v5  }
0x1fe: {  	s14 =	simm.s32 $0x4;
	s10 =	simm.s32 $0x7;
	s5 =	simm.s32 $0xC5F0;
	v12 =	vadd.s32 v1, v15  }
0x1ff: {  	v14 =	vld [tilespmem:s5+$0xFFFFFFD0];
	v13 =	vadd.s32 v1, v17;
	v5 =	vmov s14;
	[tilespmem:v6+s31+$0x0] =	vst.idx.msk $0xffff, v4;
	v6 =	vmov s10  }
0x200: {  	v16 =	vadd.s32 v1, v8;
	v4 =	vand.u32 $0x7C, v5;
	v5 =	vand.u32 $0x7F, v6;
	v18 =	vld [tilespmem:s1+$0xFFFFFFF0]  }
0x201: {  	v19 =	vld [tilespmem:s5+$0xFFFFFF10];
	v22 =	vadd.s32 v2, v9;
	s10 =	simm.s32 $0x5;
	v6 =	vmul.f32 $8.000000000e+00, v7;
	v20 =	vadd.s32 v0, v5  }
0x202: {  	s13 =	simm.s32 $0x6;
	v21 =	vld [tilespmem:s5+$0xFFFFFF50];
	v10 =	vmul.f32 $8.000000000e+00, v10;
	v7 =	vmul.f32 $8.000000000e+00, v11;
	v11 =	vmov s10  }
0x203: {  	v23 =	vadd.s32 v0, v4;
	[tilespmem:v12+s31+$0x0] =	vst.idx.msk $0xffff, v6;
	v12 =	vmov s13;
	v6 =	vand.u32 $0x7D, v11;
	v11 =	vld [tilespmem:s5+$0xFFFFFF90]  }
0x204: {  	[tilespmem:v13+s31+$0x0] =	vst.idx.msk $0xffff, v7;
	v13 =	vadd.s32 v0, v6;
	v7 =	vand.u32 $0x7E, v12;
	v12 =	vmul.f32 $8.000000000e+00, v14;
	v14 =	vld [tilespmem:s1+$0xFFFFFF70]  }
0x205: {  	[tilespmem:v16+s31+$0x0] =	vst.idx.msk $0xffff, v10;
	v10 =	vadd.s32 v0, v7;
	v16 =	vld [tilespmem:s1+$0xFFFFFFB0];
	v18 =	vmul.f32 $8.000000000e+00, v18  }
0x206: {  	v19 =	vmul.f32 $8.000000000e+00, v19;
	[tilespmem:v20+s31+$0x0] =	vst.idx.msk $0xffff, v12;
	v12 =	vld [tilespmem:s1+$0xFFFFFF30];
	v20 =	vadd.s32 v2, v15  }
0x207: {  	v25 =	vadd.s32 v2, v17;
	v21 =	vmul.f32 $8.000000000e+00, v21;
	v24 =	vld [tilespmem:s5+$0xFFFFFFE0];
	[tilespmem:v22+s31+$0x0] =	vst.idx.msk $0xffff, v18  }
0x208: {  	[tilespmem:v23+s31+$0x0] =	vst.idx.msk $0xffff, v19;
	v19 =	vadd.s32 v2, v8;
	v11 =	vmul.f32 $8.000000000e+00, v11;
	v22 =	vld [tilespmem:s1+$0x0]  }
0x209: {  	v23 =	vld [tilespmem:s5+$0xFFFFFF20];
	[tilespmem:v13+s31+$0x0] =	vst.idx.msk $0xffff, v21;
	v21 =	vadd.s32 v1, v5;
	v14 =	vmul.f32 $8.000000000e+00, v14  }
0x20a: {  	v27 =	vadd.s32 v3, v9;
	v26 =	vld [tilespmem:s5+$0xFFFFFF60];
	[tilespmem:v10+s31+$0x0] =	vst.idx.msk $0xffff, v11;
	v10 =	vmul.f32 $8.000000000e+00, v16  }
0x20b: {  	v18 =	vadd.s32 v1, v4;
	v13 =	vld [tilespmem:s5+$0xFFFFFFA0];
	v9 =	vmul.f32 $8.000000000e+00, v12;
	[tilespmem:v20+s31+$0x0] =	vst.idx.msk $0xffff, v14  }
0x20c: {  	s13 =	simm.s32 $0x8;
	v16 =	vadd.s32 v1, v6;
	[tilespmem:v25+s31+$0x0] =	vst.idx.msk $0xffff, v10;
	v14 =	vmul.f32 $8.000000000e+00, v24;
	v12 =	vld [tilespmem:s1+$0xFFFFFF80]  }
0x20d: {  	v20 =	vmov s13;
	v10 =	vadd.s32 v1, v7;
	v11 =	vld [tilespmem:s1+$0xFFFFFFC0];
	[tilespmem:v19+s31+$0x0] =	vst.idx.msk $0xffff, v9;
	v63 =	vmul.f32 $8.000000000e+00, v22  }
0x20e: {  	s14 =	simm.s32 $0xB;
	s10 =	simm.s32 $0xC6F0;
	v15 =	vadd.s32 v3, v15;
	v9 =	vand.u32 $0x7C, v20;
	v20 =	vmul.f32 $8.000000000e+00, v23;
	[tilespmem:v21+s31+$0x0] =	vst.idx.msk $0xffff, v14;
	v14 =	vld [tilespmem:s1+$0xFFFFFF40]  }
0x20f: {  	v17 =	vadd.s32 v3, v17;
	v22 =	vmov s14;
	v19 =	vld [tilespmem:s10+$0xFFFFFFD0];
	s1 =	simm.s32 $0xC;
	v21 =	vmul.f32 $8.000000000e+00, v26;
	[tilespmem:v27+s31+$0x0] =	vst.idx.msk $0xffff, v63  }
.LBB2_27:
0x210: {  	p0 =	slt.u32 s1, $0x7C;
	s0 =	sadd.s32 $0x1, s13;
	v22 =	vand.u32 $0x7F, v22;
	[tilespmem:v18+s31+$0x0] =	vst.idx.msk $0xffff, v20;
	v13 =	vmul.f32 $8.000000000e+00, v13;
	v18 =	vld [tilespmem:s5+$0xFFFFFFF0];
	v20 =	vadd.s32 v3, v8;
	v8 =	vmovc v4  }
0x211: {  	v4 =	vmovc v9;
	v23 =	vld [tilespmem:s10+$0xFFFFFF10];
	v24 =	vmov s0;
	s0 =	sadd.s32 $0x2, s13;
	v25 =	vadd.s32 v0, v22;
	[tilespmem:v16+s31+$0x0] =	vst.idx.msk $0xffff, v21;
	v12 =	vmul.f32 $8.000000000e+00, v12;
	s13 =	smov.u32 s1  }
0x212: {  	v9 =	vld [tilespmem:s10+$0xFFFFFF50];
	v16 =	vmov s0;
	[tilespmem:v10+s31+$0x0] =	vst.idx.msk $0xffff, v13;
	v10 =	vadd.s32 v2, v5;
	v11 =	vmul.f32 $8.000000000e+00, v11  }
0x213: {  	v13 =	vadd.s32 v0, v4;
	v21 =	vand.u32 $0x7D, v24;
	v24 =	vld [tilespmem:s10+$0xFFFFFF90];
	v14 =	vmul.f32 $8.000000000e+00, v14;
	[tilespmem:v15+s31+$0x0] =	vst.idx.msk $0xffff, v12  }
0x214: {  	v12 =	vadd.s32 v0, v21;
	v26 =	vand.u32 $0x7E, v16;
	v15 =	vmul.f32 $8.000000000e+00, v19;
	v16 =	vld [tilespmem:s5+$0xFFFFFF70];
	[tilespmem:v17+s31+$0x0] =	vst.idx.msk $0xffff, v11  }
0x215: {  	v11 =	vadd.s32 v0, v26;
	v17 =	vld [tilespmem:s5+$0xFFFFFFB0];
	v18 =	vmul.f32 $8.000000000e+00, v18;
	[tilespmem:v20+s31+$0x0] =	vst.idx.msk $0xffff, v14  }
0x216: {  	v19 =	vadd.s32 v2, v6;
	v14 =	vmul.f32 $8.000000000e+00, v23;
	[tilespmem:v25+s31+$0x0] =	vst.idx.msk $0xffff, v15;
	v15 =	vld [tilespmem:s5+$0xFFFFFF30]  }
0x217: {  	v23 =	vadd.s32 v2, v7;
	v9 =	vmul.f32 $8.000000000e+00, v9;
	v20 =	vld [tilespmem:s10+$0xFFFFFFE0];
	[tilespmem:v10+s31+$0x0] =	vst.idx.msk $0xffff, v18  }
0x218: {  	[tilespmem:v13+s31+$0x0] =	vst.idx.msk $0xffff, v14;
	v10 =	vmul.f32 $8.000000000e+00, v24;
	v14 =	vadd.s32 v2, v8;
	v24 =	vld [tilespmem:s5+$0x0]  }
0x219: {  	v27 =	vadd.s32 v1, v22;
	v25 =	vld [tilespmem:s10+$0xFFFFFF20];
	[tilespmem:v12+s31+$0x0] =	vst.idx.msk $0xffff, v9;
	v9 =	vmul.f32 $8.000000000e+00, v16  }
0x21a: {  	v29 =	vadd.s32 v3, v5;
	v5 =	vmov v22;
	v28 =	vld [tilespmem:s10+$0xFFFFFF60];
	[tilespmem:v11+s31+$0x0] =	vst.idx.msk $0xffff, v10;
	v10 =	vmul.f32 $8.000000000e+00, v17  }
.Ltmp17:
0x21b: {  	v18 =	vadd.s32 v1, v4;
	v13 =	vld [tilespmem:s10+$0xFFFFFFA0];
	v11 =	vmul.f32 $8.000000000e+00, v15;
	[tilespmem:v19+s31+$0x0] =	vst.idx.msk $0xffff, v9;
	(pc) =	sbr.rel @p0 .LBB2_27-.Ltmp17, $4  }
0x21c: {  	v16 =	vadd.s32 v1, v21;
	v15 =	vmul.f32 $8.000000000e+00, v20;
	v12 =	vld [tilespmem:s5+$0xFFFFFF80];
	[tilespmem:v23+s31+$0x0] =	vst.idx.msk $0xffff, v10  }
0x21d: {  	v9 =	vmov s1;
	v10 =	vadd.s32 v1, v26;
	[tilespmem:v14+s31+$0x0] =	vst.idx.msk $0xffff, v11;
	v11 =	vld [tilespmem:s5+$0xFFFFFFC0];
	v23 =	vmul.f32 $8.000000000e+00, v24  }
0x21e: {  	s0 =	sadd.s32 $0x3, s1;
	v9 =	vand.u32 $0x7C, v9;
	v20 =	vmul.f32 $8.000000000e+00, v25;
	[tilespmem:v27+s31+$0x0] =	vst.idx.msk $0xffff, v15;
	v14 =	vld [tilespmem:s5+$0xFFFFFF40];
	v15 =	vadd.s32 v3, v6;
	v6 =	vmovc v21;
	s5 =	smov.u32 s10;
	s10 =	sadd.s32 $0x100, s10  }
0x21f: {  	v22 =	vmov s0;
	v17 =	vadd.s32 v3, v7;
	v7 =	vmovc v26;
	s1 =	sadd.s32 $0x4, s1;
	v19 =	vld [tilespmem:s10+$0xFFFFFFD0];
	v21 =	vmul.f32 $8.000000000e+00, v28;
	[tilespmem:v29+s31+$0x0] =	vst.idx.msk $0xffff, v23  }
0x220: {  	s0 =	sadd.s32 $0x1, s13;
	v22 =	vand.u32 $0x7F, v22;
	v28 =	vld [tilespmem:s10+$0xFFFFFF10]  }
0x221: {  	s1 =	sadd.s32 $0x2, s13;
	v24 =	vld [tilespmem:s10+$0xFFFFFF50];
	v23 =	vmov s0;
	v25 =	vadd.s32 v0, v22  }
0x222: {  	v27 =	vld [tilespmem:s10+$0xFFFFFF90];
	v51 =	vadd.s32 v0, v9;
	v26 =	vmov s1;
	v23 =	vand.u32 $0x7D, v23  }
0x223: {  	v26 =	vand.u32 $0x7E, v26;
	v29 =	vadd.s32 v0, v23  }
0x224: {  	[tilespmem:v18+s31+$0x0] =	vst.idx.msk $0xffff, v20;
	v30 =	vadd.s32 v0, v26;
	v19 =	vmul.f32 $8.000000000e+00, v19  }
0x225: {  	[tilespmem:v16+s31+$0x0] =	vst.idx.msk $0xffff, v21;
	v54 =	vmul.f32 $8.000000000e+00, v28  }
0x226: {  	v52 =	vmul.f32 $8.000000000e+00, v24;
	[tilespmem:v25+s31+$0x0] =	vst.idx.msk $0xffff, v19  }
0x227: {  	v53 =	vmul.f32 $8.000000000e+00, v27;
	v55 =	vld [tilespmem:s10+$0xFFFFFFE0];
	[tilespmem:v51+s31+$0x0] =	vst.idx.msk $0xffff, v54  }
0x228: {  	v13 =	vmul.f32 $8.000000000e+00, v13;
	v8 =	vadd.s32 v3, v8;
	[tilespmem:v29+s31+$0x0] =	vst.idx.msk $0xffff, v52;
	v59 =	vld [tilespmem:s10+$0xFFFFFF20]  }
0x229: {  	v12 =	vmul.f32 $8.000000000e+00, v12;
	v57 =	vadd.s32 v1, v22;
	[tilespmem:v30+s31+$0x0] =	vst.idx.msk $0xffff, v53;
	v56 =	vld [tilespmem:s10+$0xFFFFFF60]  }
0x22a: {  	[tilespmem:v10+s31+$0x0] =	vst.idx.msk $0xffff, v13;
	v58 =	vmul.f32 $8.000000000e+00, v11;
	v28 =	vadd.s32 v1, v9;
	v19 =	vld [tilespmem:s10+$0xFFFFFFA0]  }
0x22b: {  	v61 =	vld [tilespmem:s5+$0xFFFFFFF0];
	v60 =	vadd.s32 v1, v23;
	v14 =	vmul.f32 $8.000000000e+00, v14;
	[tilespmem:v15+s31+$0x0] =	vst.idx.msk $0xffff, v12  }
0x22c: {  	v32 =	vld [tilespmem:s5+$0xFFFFFF30];
	v62 =	vadd.s32 v1, v26;
	[tilespmem:v17+s31+$0x0] =	vst.idx.msk $0xffff, v58;
	v16 =	vmul.f32 $8.000000000e+00, v55  }
0x22d: {  	[tilespmem:v8+s31+$0x0] =	vst.idx.msk $0xffff, v14;
	v29 =	vadd.s32 v2, v5;
	v30 =	vld [tilespmem:s5+$0xFFFFFFB0];
	v11 =	vmul.f32 $8.000000000e+00, v59  }
0x22e: {  	v38 =	vadd.s32 v2, v4;
	v63 =	vld [tilespmem:s5+$0xFFFFFF70];
	v31 =	vmul.f32 $8.000000000e+00, v56;
	[tilespmem:v57+s31+$0x0] =	vst.idx.msk $0xffff, v16  }
0x22f: {  	v35 =	vadd.s32 v2, v7;
	v34 =	vmul.f32 $8.000000000e+00, v19;
	v36 =	vld [tilespmem:s10+$0xFFFFFFF0];
	[tilespmem:v28+s31+$0x0] =	vst.idx.msk $0xffff, v11  }
0x230: {  	v33 =	vadd.s32 v2, v6;
	v37 =	vmul.f32 $8.000000000e+00, v61;
	[tilespmem:v60+s31+$0x0] =	vst.idx.msk $0xffff, v31;
	v43 =	vld [tilespmem:s10+$0xFFFFFF30]  }
0x231: {  	v40 =	vadd.s32 v2, v22;
	v14 =	vmul.f32 $8.000000000e+00, v32;
	[tilespmem:v62+s31+$0x0] =	vst.idx.msk $0xffff, v34;
	v39 =	vld [tilespmem:s10+$0xFFFFFF70]  }
0x232: {  	v48 =	vadd.s32 v2, v9;
	[tilespmem:v29+s31+$0x0] =	vst.idx.msk $0xffff, v37;
	v42 =	vmul.f32 $8.000000000e+00, v30;
	v41 =	vld [tilespmem:s10+$0xFFFFFFB0]  }
0x233: {  	v44 =	vadd.s32 v2, v23;
	v15 =	vmul.f32 $8.000000000e+00, v63;
	[tilespmem:v38+s31+$0x0] =	vst.idx.msk $0xffff, v14;
	v45 =	vld [tilespmem:s5+$0x0]  }
0x234: {  	v46 =	vadd.s32 v2, v26;
	v14 =	vld [tilespmem:s5+$0xFFFFFF40];
	[tilespmem:v35+s31+$0x0] =	vst.idx.msk $0xffff, v42;
	v47 =	vmul.f32 $8.000000000e+00, v36  }
0x235: {  	v5 =	vadd.s32 v3, v5;
	[tilespmem:v33+s31+$0x0] =	vst.idx.msk $0xffff, v15;
	v49 =	vld [tilespmem:s5+$0xFFFFFFC0];
	v53 =	vmul.f32 $8.000000000e+00, v43  }
0x236: {  	v4 =	vadd.s32 v3, v4;
	v21 =	vld [tilespmem:s5+$0xFFFFFF80];
	v12 =	vmul.f32 $8.000000000e+00, v39;
	[tilespmem:v40+s31+$0x0] =	vst.idx.msk $0xffff, v47  }
0x237: {  	v52 =	vadd.s32 v3, v7;
	v51 =	vmul.f32 $8.000000000e+00, v41;
	v10 =	vld [tilespmem:s10+$0x0];
	[tilespmem:v48+s31+$0x0] =	vst.idx.msk $0xffff, v53  }
0x238: {  	v50 =	vadd.s32 v3, v6;
	v54 =	vmul.f32 $8.000000000e+00, v45;
	[tilespmem:v44+s31+$0x0] =	vst.idx.msk $0xffff, v12;
	v59 =	vld [tilespmem:s10+$0xFFFFFF40]  }
0x239: {  	v57 =	vadd.s32 v3, v22;
	v14 =	vmul.f32 $8.000000000e+00, v14;
	[tilespmem:v46+s31+$0x0] =	vst.idx.msk $0xffff, v51;
	v55 =	vld [tilespmem:s10+$0xFFFFFF80]  }
0x23a: {  	v62 =	vadd.s32 v3, v9;
	[tilespmem:v5+s31+$0x0] =	vst.idx.msk $0xffff, v54;
	v5 =	vmul.f32 $8.000000000e+00, v49;
	v58 =	vld [tilespmem:s10+$0xFFFFFFC0]  }
0x23b: {  	v56 =	vmul.f32 $8.000000000e+00, v21;
	v60 =	vadd.s32 v3, v23;
	[tilespmem:v4+s31+$0x0] =	vst.idx.msk $0xffff, v14  }
0x23c: {  	v61 =	vadd.s32 v3, v26;
	[tilespmem:v52+s31+$0x0] =	vst.idx.msk $0xffff, v5;
	v5 =	vmul.f32 $8.000000000e+00, v10  }
0x23d: {  	[tilespmem:v50+s31+$0x0] =	vst.idx.msk $0xffff, v56;
	v63 =	vmul.f32 $8.000000000e+00, v59  }
0x23e: {  	v4 =	vmul.f32 $8.000000000e+00, v55;
	[tilespmem:v57+s31+$0x0] =	vst.idx.msk $0xffff, v5  }
0x23f: {  	v5 =	vmul.f32 $8.000000000e+00, v58;
	[tilespmem:v62+s31+$0x0] =	vst.idx.msk $0xffff, v63  }
0x240: {  	[tilespmem:v60+s31+$0x0] =	vst.idx.msk $0xffff, v4  }
0x241: {  	s5 =	sadd.s32 s18, s9;
	s10 =	simm.s32 $0x14A00;
	[tilespmem:v61+s31+$0x0] =	vst.idx.msk $0xffff, v5  }
0x242: {  	[hbm4b:s5+s3] =	stream.linear.scatter [tilespmem:s10], [sflag:$0x8], $0x80, $0x38;
	[tilespmem:$0x16C00] =	vst v63  }
0x243: {  	s13 =	simm.s32 $0x14A88;
	s1 =	sadd.s32 $0x10, s5  }
0x244: {  	[hbm4b:s1+s3] =	stream.linear.scatter [tilespmem:s13], [sflag:$0x8], $0x80, $0x38;
	[tilespmem:$0x16C00] =	vst v63  }
0x245: {  	s14 =	simm.s32 $0x14B10;
	s18 =	sadd.s32 $0x20, s5;
	s0 =	sadd.s32 $0x70, s5  }
0x246: {  	[hbm4b:s18+s3] =	stream.linear.scatter [tilespmem:s14], [sflag:$0x8], $0x80, $0x38;
	[tilespmem:$0x16C00] =	vst v63  }
0x247: {  	s10 =	simm.s32 $0x14B98;
	s13 =	sadd.s32 $0x30, s5;
	s1 =	simm.s32 $0x440  }
0x248: {  	[hbm4b:s13+s3] =	stream.linear.scatter [tilespmem:s10], [sflag:$0x8], $0x80, $0x38;
	[tilespmem:$0x16C00] =	vst v63  }
0x249: {  	s14 =	simm.s32 $0x14C20;
	s18 =	sadd.s32 $0x40, s5;
	s10 =	simm.s32 $0x14CA8  }
0x24a: {  	[hbm4b:s18+s3] =	stream.linear.scatter [tilespmem:s14], [sflag:$0x8], $0x80, $0x38;
	[tilespmem:$0x16C00] =	vst v63  }
0x24b: {  	s13 =	sadd.s32 $0x50, s5;
	s14 =	simm.s32 $0x14D30;
	s18 =	sadd.s32 $0x60, s5  }
0x24c: {  	[hbm4b:s13+s3] =	stream.linear.scatter [tilespmem:s10], [sflag:$0x8], $0x80, $0x38;
	[tilespmem:$0x16C00] =	vst v63  }
0x24d: {  	s5 =	sadd.s32 $0x1000, s5;
	s10 =	simm.s32 $0x2200;
	s13 =	simm.s32 $0x14DB8  }
0x24e: {  	[hbm4b:s18+s3] =	stream.linear.scatter [tilespmem:s14], [sflag:$0x8], $0x80, $0x38;
	[tilespmem:$0x16C00] =	vst v63  }
.LBB2_29:
0x24f: {  	[hbm4b:s0+s3] =	stream.linear.scatter [tilespmem:s13], [sflag:$0x8], $0x80, $0x38;
	[tilespmem:$0x16C00] =	vst v63  }
0x250: {  	s0 =	smov.u32 s1;
	s1 =	smov.u32 s10  }
0x251: {  	s14 =	sadd.s32 $0x1100, s10;
	s1 =	sshra.s32 s1, $0x2;
	s13 =	sadd.s32 $0x14A00, s0  }
0x252: {  	[hbm4b:s5+s3] =	stream.linear.scatter [tilespmem:s13], [sflag:$0x8], $0x80, $0x38;
	[tilespmem:$0x16C00] =	vst v63  }
0x253: {  	p0 =	sne.s32 s10, $0x7700;
	s10 =	sadd.s32 $0x14A88, s0;
	s13 =	sadd.s32 $0x10, s5  }
0x254: {  	[hbm4b:s13+s3] =	stream.linear.scatter [tilespmem:s10], [sflag:$0x8], $0x80, $0x38;
	[tilespmem:$0x16C00] =	vst v63  }
0x255: {  	s10 =	sadd.s32 $0x14B10, s0;
	s13 =	sadd.s32 $0x20, s5  }
0x256: {  	[hbm4b:s13+s3] =	stream.linear.scatter [tilespmem:s10], [sflag:$0x8], $0x80, $0x38;
	[tilespmem:$0x16C00] =	vst v63  }
0x257: {  	s10 =	sadd.s32 $0x14B98, s0;
	s13 =	sadd.s32 $0x30, s5  }
0x258: {  	[hbm4b:s13+s3] =	stream.linear.scatter [tilespmem:s10], [sflag:$0x8], $0x80, $0x38;
	[tilespmem:$0x16C00] =	vst v63  }
0x259: {  	s10 =	sadd.s32 $0x14C20, s0;
	s13 =	sadd.s32 $0x40, s5  }
0x25a: {  	[hbm4b:s13+s3] =	stream.linear.scatter [tilespmem:s10], [sflag:$0x8], $0x80, $0x38;
	[tilespmem:$0x16C00] =	vst v63  }
0x25b: {  	s10 =	sadd.s32 $0x14CA8, s0;
	s13 =	sadd.s32 $0x50, s5  }
0x25c: {  	[hbm4b:s13+s3] =	stream.linear.scatter [tilespmem:s10], [sflag:$0x8], $0x80, $0x38;
	[tilespmem:$0x16C00] =	vst v63  }
.Ltmp18:
0x25d: {  	_ = 	snop;
	(pc) =	sbr.rel @p0 .LBB2_29-.Ltmp18, $4  }
0x25e: {  	s10 =	sadd.s32 $0x14D30, s0;
	s13 =	sadd.s32 $0x60, s5  }
0x25f: {  	[hbm4b:s13+s3] =	stream.linear.scatter [tilespmem:s10], [sflag:$0x8], $0x80, $0x38;
	[tilespmem:$0x16C00] =	vst v63  }
0x260: {  	s13 =	sadd.s32 $0x14DB8, s0  }
0x261: {  	s0 =	sadd.s32 $0x70, s5;
	s5 =	sadd.s32 $0x1000, s5;
	s10 =	smov.u32 s14  }
0x262: {  	[hbm4b:s0+s3] =	stream.linear.scatter [tilespmem:s13], [sflag:$0x8], $0x80, $0x38;
	[tilespmem:$0x16C00] =	vst v63  }
0x263: {  	s14 =	sadd.s32 $0x14A00, s1  }
0x264: {  	[hbm4b:s5+s3] =	stream.linear.scatter [tilespmem:s14], [sflag:$0x8], $0x80, $0x38;
	[tilespmem:$0x16C00] =	vst v63  }
0x265: {  	s18 =	sadd.s32 $0x14A88, s1;
	s10 =	sadd.s32 $0x10, s5  }
0x266: {  	[hbm4b:s10+s3] =	stream.linear.scatter [tilespmem:s18], [sflag:$0x8], $0x80, $0x38;
	[tilespmem:$0x16C00] =	vst v63  }
0x267: {  	s13 =	sadd.s32 $0x20, s5;
	s10 =	sadd.s32 $0x14B10, s1  }
0x268: {  	[hbm4b:s13+s3] =	stream.linear.scatter [tilespmem:s10], [sflag:$0x8], $0x80, $0x38;
	[tilespmem:$0x16C00] =	vst v63  }
0x269: {  	s14 =	sadd.s32 $0x14B98, s1;
	s18 =	sadd.s32 $0x30, s5  }
0x26a: {  	[hbm4b:s18+s3] =	stream.linear.scatter [tilespmem:s14], [sflag:$0x8], $0x80, $0x38;
	[tilespmem:$0x16C00] =	vst v63  }
0x26b: {  	s10 =	sadd.s32 $0x14C20, s1;
	s13 =	sadd.s32 $0x40, s5  }
0x26c: {  	[hbm4b:s13+s3] =	stream.linear.scatter [tilespmem:s10], [sflag:$0x8], $0x80, $0x38;
	[tilespmem:$0x16C00] =	vst v63  }
0x26d: {  	p0 =	seq.s32 s12, $0x31;
	s14 =	sadd.s32 $0x14CA8, s1;
	s18 =	sadd.s32 $0x50, s5  }
0x26e: {  	[hbm4b:s18+s3] =	stream.linear.scatter [tilespmem:s14], [sflag:$0x8], $0x80, $0x38;
	[tilespmem:$0x16C00] =	vst v63  }
.Ltmp19:
0x26f: {  	_ = 	snop;
	(pc) =	sbr.rel @p0 .LBB2_32-.Ltmp19, $4  }
0x270: {  	s10 =	sadd.s32 $0x14D30, s1;
	s13 =	sadd.s32 $0x60, s5  }
0x271: {  	[hbm4b:s13+s3] =	stream.linear.scatter [tilespmem:s10], [sflag:$0x8], $0x80, $0x38;
	[tilespmem:$0x16C00] =	vst v63  }
0x272: {  	s14 =	sadd.s32 $0x14DB8, s1;
	s18 =	sadd.s32 $0x70, s5  }
0x273: {  	[hbm4b:s18+s3] =	stream.linear.scatter [tilespmem:s14], [sflag:$0x8], $0x80, $0x38;
	[tilespmem:$0x16C00] =	vst v63  }
.Ltmp20:
0x274: {  	(pc) =	sbr.rel .LBB2_2-.Ltmp20, $4  }
0x275: {  	_ = 	snop  }
0x276: {  	s0 =	sshrl.u32 s16, $0x2  }
0x277: {  	s12 =	sadd.s32 $0x1, s12;
	s0 =	sadd.s32 $0x380, s0  }
0x278: {  	[tilespmem:s19], [sflag:$0x4] =	stream.indirect.gather [hbm4b:s4+s11], $0x40, s0, s11, $0xb8;
	[tilespmem:$0x16C00] =	vst v63  }
.LBB2_33:
0x279: {  	_ =	sfence.sel $0x180000  }
0x27a: {  	[bflag:$0x0] =	sbarrier.arrive $0xFFFF  }
0x27b: {  	_ =	strace $0x90000047  }
0x27c: {  	s0 =	stileid.u32;
	[bflag:$0x2] =	sbarrier.arrive $0xFFFF  }
0x27d: {  	p0 =	sne.s32 s0, $0x0;
	s0 =	rddreg [dreg:$0x2]  }
0x27e: {  	s0 =	sadd.s32 @!p0 $0x100000, s0  }
0x27f: {  	[sflag:s0] =	ssyncadd.tile.s32 @!p0 $0x1;
	_ =	shalt  }
.Lfunc_end2:
_tile_overlayer_lowered:
.L_overlay_start_2:
0x280: {  	(tag) =	ssettag $0x2  }
0x281: {  	s0 =	rddreg [dreg:$0x0];
	s2 =	stileid.u32  }
0x282: {  	s1 =	rddreg [dreg:$0x1];
	p0 =	sne.s32 s2, $0x0  }
0x283: {  	s3 =	rddreg [dreg:$0x2];
	[bflag:$0x3] =	sbarrier.arrive $0xFFFF;
	s2 =	simm.s32 @!p0 $0x1C09  }
0x284: {  	[timem:s3], [sflag:s2] =	dma.local @!p0 [hbm:s0], s1  }
0x285: {  	s0 =	simm.s32 @!p0 $0x9  }
0x286: {  	_ =	swait.ge @!p0 [sflag:s0], s1  }
0x287: {  	s1 =	ssub.s32 @!p0 $0x0, s1;
	[sflag:s0] =	ssyncset.done @!p0 $0x0  }
0x288: {  	[sflag:s0] =	ssyncadd.s32 @!p0 s1  }
0x289: {  	[bflag:$0x3] =	sbarrier.arrive $0xFFFF  }
0x28a: {  	_ =	shalt  }

</sc_bundles>
